<compile_context>
chip_gen: v7x
topology: tpu7x:2x2x1
jax: 0.10.2.dev20260603
libtpu: 0.0.44.dev20260713+nightly
codegen_flags: <defaults>
</compile_context>

<pallas_src>
import functools

import jax
import jax.numpy as jnp
from jax import lax
from jax.experimental import pallas as pl
from jax.experimental.pallas import tpu as pltpu
from jax.experimental.pallas import tpu_sc as plsc

F = 512
NB = 16
BOUND = 5.0
MIN_DERIV = 0.001
MIN_BW = 0.001
MIN_BH = 0.001
BATCH = 16384

TOT = BATCH * F
NW = 32
PER_W = TOT // NW
CHUNK = 8192
NCHUNK = PER_W // CHUNK
NVEC = CHUNK // 16
CSTRIDE = F * 18
assert PER_W % CHUNK == 0 and NCHUNK % 2 == 0


def _softmax_ax0(a):
    m = jnp.max(a, axis=0, keepdims=True)
    e = jnp.exp(a - m)
    return e / jnp.sum(e, axis=0, keepdims=True)


def _prep_body(uw_ref, uh_ref, ud_ref, bounds_ref, coef_ref):
    uw = uw_ref[...]
    uh = uh_ref[...]
    ud = ud_ref[...]

    widths = _softmax_ax0(uw)
    widths = MIN_BW + (1.0 - MIN_BW * NB) * widths
    widths = widths * (2.0 * BOUND)
    heights = _softmax_ax0(uh)
    heights = MIN_BH + (1.0 - MIN_BH * NB) * heights
    heights = heights * (2.0 * BOUND)
    deriv = jnp.maximum(ud, 0.0) + jnp.log(1.0 + jnp.exp(-jnp.abs(ud))) + MIN_DERIV

    r = lax.broadcasted_iota(jnp.int32, (NB, NB), 0)
    c = lax.broadcasted_iota(jnp.int32, (NB, NB), 1)
    tri = (c <= r).astype(jnp.float32)
    cum_w = jnp.dot(tri, widths, precision=lax.Precision.HIGHEST,
                    preferred_element_type=jnp.float32)
    cum_h = jnp.dot(tri, heights, precision=lax.Precision.HIGHEST,
                    preferred_element_type=jnp.float32)

    neg_b = jnp.full((1, F), -BOUND, jnp.float32)
    knot_x = jnp.concatenate([neg_b, -BOUND + cum_w], axis=0)
    knot_y = jnp.concatenate([neg_b, -BOUND + cum_h], axis=0)

    bounds_ref[...] = jnp.concatenate(
        [knot_x[1:16], jnp.full((1, F), 1e30, jnp.float32)], axis=0)

    s = heights / widths
    d0 = deriv[:NB]
    d1 = deriv[1:]
    p = heights * (s - d0) / s
    q = heights * d0 / s
    c2 = (d0 + d1 - 2.0 * s) / s

    one = jnp.ones((1, F), jnp.float32)
    zero = jnp.zeros((1, F), jnp.float32)

    def plane(row0, inner, row17):
        return jnp.concatenate([row0, inner, row17], axis=0)

    coef = jnp.stack([
        plane(knot_x[0:1], knot_x[:NB], knot_x[16:17]),
        plane(one, 1.0 / widths, one),
        plane(zero, p, zero),
        plane(deriv[0:1], q, deriv[16:17]),
        plane(zero, c2, zero),
        plane(knot_y[0:1], knot_y[:NB], knot_y[16:17]),
    ], axis=0)
    coef_ref[...] = coef


_prep = pl.pallas_call(
    _prep_body,
    out_shape=[
        jax.ShapeDtypeStruct((16, F), jnp.float32),
        jax.ShapeDtypeStruct((6, 18, F), jnp.float32),
    ],
)


def _sc_body(x_hbm, bounds_hbm, coef_hbm, y_hbm,
             bnd_v, cf0, cf1, cf2, cf3, cf4, cf5,
             xb0, xb1, yb0, yb1, si0, si1, so0, so1):
    wid = lax.axis_index("s") * 2 + lax.axis_index("c")
    base = pl.multiple_of(wid * PER_W, CHUNK)

    pltpu.sync_copy(bounds_hbm, bnd_v)
    cfs = (cf0, cf1, cf2, cf3, cf4, cf5)
    for k in range(6):
        pltpu.sync_copy(coef_hbm.at[pl.ds(k * CSTRIDE, CSTRIDE)], cfs[k])

    xbufs = (xb0, xb1)
    ybufs = (yb0, yb1)
    isems = (si0, si1)
    osems = (so0, so1)

    def in_slice(g):
        return x_hbm.at[pl.ds(pl.multiple_of(base + g * CHUNK, CHUNK), CHUNK)]

    def out_slice(g):
        return y_hbm.at[pl.ds(pl.multiple_of(base + g * CHUNK, CHUNK), CHUNK)]

    io16 = lax.broadcasted_iota(jnp.int32, (16,), 0)

    def compute(b):
        xbuf = xbufs[b]
        ybuf = ybufs[b]

        @plsc.parallel_loop(0, NVEC, unroll=4)
        def body(i):
            off = i * 16
            fb = jnp.bitwise_and(off, F - 1)
            f = fb + io16
            xv = xbuf[pl.ds(off, 16)]
            acc = f
            for stp in (8, 4, 2, 1):
                probe = plsc.load_gather(bnd_v, [acc + (stp - 1) * F])
                acc = jnp.where(xv >= probe, acc + stp * F, acc)
            cb = acc + jnp.where(xv < -BOUND, 0, F)
            cb = cb + jnp.where(xv > BOUND, F, 0)
            xk = plsc.load_gather(cf0, [cb])
            iw = plsc.load_gather(cf1, [cb])
            pp = plsc.load_gather(cf2, [cb])
            qq = plsc.load_gather(cf3, [cb])
            cc = plsc.load_gather(cf4, [cb])
            yk = plsc.load_gather(cf5, [cb])
            xi = (xv - xk) * iw
            t = xi * (1.0 - xi)
            num = xi * (pp * xi + qq)
            den = 1.0 + cc * t
            ybuf[pl.ds(off, 16)] = yk + num / den

    pltpu.async_copy(in_slice(0), xb0, si0)
    pltpu.async_copy(in_slice(1), xb1, si1)

    def outer(k, carry):
        g2 = k * 2
        for b in (0, 1):
            g = g2 + b
            pltpu.make_async_copy(in_slice(0), xbufs[b], isems[b]).wait()

            @pl.when(g2 >= 2)
            def _wait_out():
                pltpu.make_async_copy(ybufs[b], out_slice(0), osems[b]).wait()

            compute(b)
            pltpu.async_copy(ybufs[b], out_slice(g), osems[b])

            @pl.when(g2 + 2 < NCHUNK)
            def _next_in():
                pltpu.async_copy(in_slice(g + 2), xbufs[b], isems[b])
        return carry

    lax.fori_loop(0, NCHUNK // 2, outer, 0)

    pltpu.make_async_copy(yb0, out_slice(0), so0).wait()
    pltpu.make_async_copy(yb1, out_slice(0), so1).wait()


_sc_eval = functools.partial(
    pl.kernel,
    out_type=jax.ShapeDtypeStruct((TOT,), jnp.float32),
    mesh=plsc.VectorSubcoreMesh(core_axis_name="c", subcore_axis_name="s"),
    scratch_types=[
        pltpu.VMEM((F * 16,), jnp.float32),
        pltpu.VMEM((CSTRIDE,), jnp.float32),
        pltpu.VMEM((CSTRIDE,), jnp.float32),
        pltpu.VMEM((CSTRIDE,), jnp.float32),
        pltpu.VMEM((CSTRIDE,), jnp.float32),
        pltpu.VMEM((CSTRIDE,), jnp.float32),
        pltpu.VMEM((CSTRIDE,), jnp.float32),
        pltpu.VMEM((CHUNK,), jnp.float32),
        pltpu.VMEM((CHUNK,), jnp.float32),
        pltpu.VMEM((CHUNK,), jnp.float32),
        pltpu.VMEM((CHUNK,), jnp.float32),
        pltpu.SemaphoreType.DMA,
        pltpu.SemaphoreType.DMA,
        pltpu.SemaphoreType.DMA,
        pltpu.SemaphoreType.DMA,
    ],
    compiler_params=pltpu.CompilerParams(needs_layout_passes=False),
)(_sc_body)


def kernel(x, unnorm_widths, unnorm_heights, unnorm_derivatives):
    bounds, coef = _prep(unnorm_widths.T, unnorm_heights.T,
                         unnorm_derivatives.T)
    y = _sc_eval(x.reshape(-1), bounds.reshape(-1), coef.reshape(-1))
    return y.reshape(BATCH, F)

# --- scband reference (transcript-rebuilt; emitter-appended) ---
"""Pipeline reference for scband-rqsbatch-52810917871889 (READ-ONLY COPY).

The authoritative reference and input builder live on the scoring server;
editing this copy changes nothing except your own understanding.
"""

import jax, jax.numpy as jnp
import numpy as np

NUM_FEATURES = 512
NUM_BINS = 16
BOUND = 5.0
MIN_DERIV = 0.001
MIN_BW = 0.001
MIN_BH = 0.001
BATCH = 16384


def setup_inputs(seed: int = 0) -> dict:
    key = jax.random.key(seed)
    k1, k2, k3, k4 = jax.random.split(key, 4)
    x = jax.random.normal(k1, (BATCH, NUM_FEATURES), dtype=jnp.float32)
    unnorm_widths = jax.random.normal(k2, (NUM_FEATURES, NUM_BINS), dtype=jnp.float32) * 0.1
    unnorm_heights = jax.random.normal(k3, (NUM_FEATURES, NUM_BINS), dtype=jnp.float32) * 0.1
    unnorm_derivatives = jax.random.normal(k4, (NUM_FEATURES, NUM_BINS + 1), dtype=jnp.float32) * 0.1
    return {"x": x, "unnorm_widths": unnorm_widths, "unnorm_heights": unnorm_heights, "unnorm_derivatives": unnorm_derivatives}


def _compute_spline_params(uw, uh, ud):
    widths = jax.nn.softmax(uw, axis=-1)
    widths = MIN_BW + (1.0 - MIN_BW * NUM_BINS) * widths
    widths = widths * 2.0 * BOUND
    heights = jax.nn.softmax(uh, axis=-1)
    heights = MIN_BH + (1.0 - MIN_BH * NUM_BINS) * heights
    heights = heights * 2.0 * BOUND
    derivatives = jax.nn.softplus(ud) + MIN_DERIV
    cum_w = jnp.cumsum(widths, axis=-1)
    knot_x = jnp.concatenate([jnp.full((NUM_FEATURES, 1), -BOUND, widths.dtype), -BOUND + cum_w], axis=-1)
    cum_h = jnp.cumsum(heights, axis=-1)
    knot_y = jnp.concatenate([jnp.full((NUM_FEATURES, 1), -BOUND, heights.dtype), -BOUND + cum_h], axis=-1)
    return widths, heights, derivatives, knot_x, knot_y


def _forward_single_feature(x_f, widths, heights, derivatives, knot_x, knot_y):
    left_mask = x_f < -BOUND
    right_mask = x_f > BOUND
    # linear tails
    y_left = knot_y[0] + derivatives[0] * (x_f - knot_x[0])
    y_right = knot_y[-1] + derivatives[-1] * (x_f - knot_x[-1])
    # interior rational-quadratic spline (clip for numerical safety in untaken branch)
    x_safe = jnp.clip(x_f, -BOUND, BOUND)
    bin_idx = jnp.clip(jnp.searchsorted(knot_x[1:], x_safe), 0, NUM_BINS - 1)
    w_k = widths[bin_idx]
    h_k = heights[bin_idx]
    d_k = derivatives[bin_idx]
    d_k1 = derivatives[bin_idx + 1]
    x_k = knot_x[bin_idx]
    y_k = knot_y[bin_idx]
    xi = (x_safe - x_k) / w_k
    s_k = h_k / w_k
    xi_1mxi = xi * (1.0 - xi)
    numerator = s_k * xi ** 2 + d_k * xi_1mxi
    denominator = s_k + (d_k + d_k1 - 2.0 * s_k) * xi_1mxi
    y_int = y_k + h_k * numerator / denominator
    return jnp.where(left_mask, y_left, jnp.where(right_mask, y_right, y_int))


def reference(x, unnorm_widths, unnorm_heights, unnorm_derivatives):
    widths, heights, derivatives, knot_x, knot_y = _compute_spline_params(unnorm_widths, unnorm_heights, unnorm_derivatives)
    # vmap over the feature axis: x is [batch, F], params are [F, ...]
    y = jax.vmap(_forward_single_feature, in_axes=(1, 0, 0, 0, 0, 0), out_axes=1)(x, widths, heights, derivatives, knot_x, knot_y)
    return y

if __name__ == "__main__":
    import jax
    _d = setup_inputs()
    print(jax.jit(kernel)(*tuple(_d.values())))

</pallas_src>

<mosaic_0001>
#map = affine_map<(d0, d1) -> (0)>
module attributes {stable_mosaic.version = 14 : i64} {
  func.func @_sc_body(%arg0: i32, %arg1: i32, %arg2: memref<8388608xf32, #tpu.memory_space<hbm>>, %arg3: memref<8192xf32, #tpu.memory_space<hbm>>, %arg4: memref<55296xf32, #tpu.memory_space<hbm>>, %arg5: memref<8388608xf32, #tpu.memory_space<hbm>>, %arg6: memref<8192xf32, #tpu.memory_space<vmem>>, %arg7: memref<9216xf32, #tpu.memory_space<vmem>>, %arg8: memref<9216xf32, #tpu.memory_space<vmem>>, %arg9: memref<9216xf32, #tpu.memory_space<vmem>>, %arg10: memref<9216xf32, #tpu.memory_space<vmem>>, %arg11: memref<9216xf32, #tpu.memory_space<vmem>>, %arg12: memref<9216xf32, #tpu.memory_space<vmem>>, %arg13: memref<8192xf32, #tpu.memory_space<vmem>>, %arg14: memref<8192xf32, #tpu.memory_space<vmem>>, %arg15: memref<8192xf32, #tpu.memory_space<vmem>>, %arg16: memref<8192xf32, #tpu.memory_space<vmem>>, %arg17: memref<!tpu.dma_semaphore, #tpu.memory_space<semaphore_mem>>, %arg18: memref<!tpu.dma_semaphore, #tpu.memory_space<semaphore_mem>>, %arg19: memref<!tpu.dma_semaphore, #tpu.memory_space<semaphore_mem>>, %arg20: memref<!tpu.dma_semaphore, #tpu.memory_space<semaphore_mem>>) attributes {dimension_semantics = [#tpu.dimension_semantics<core_parallel>, #tpu.dimension_semantics<subcore_parallel>], iteration_bounds = array<i64: 2, 16>, scalar_prefetch = 0 : i64, scratch_operands = 15 : i64, tpu.core_type = #tpu.core_type<sc_vector_subcore>, window_params = [{transform_indices = #map}, {transform_indices = #map}, {transform_indices = #map}, {transform_indices = #map}]} {
    %mul3A = arith.constant 2 : i32
    %mul3A_0 = arith.muli %arg1, %mul3A : i32
    %add3A = arith.addi %mul3A_0, %arg0 : i32
    %mul3A_1 = arith.constant 262144 : i32
    %mul3A_2 = arith.muli %add3A, %mul3A_1 : i32
    %multiple_of3A = tpu.assume_multiple %mul3A_2, 8192 : i32
    "tpu.region"() ({
      %run_scoped3A = tpu.sem_alloc : memref<!tpu.dma_semaphore, #tpu.memory_space<semaphore_mem>>
      tpu.enqueue_dma source(%arg3 : memref<8192xf32, #tpu.memory_space<hbm>>) target(%arg6 : memref<8192xf32, #tpu.memory_space<vmem>>) target_semaphore(%run_scoped3A : memref<!tpu.dma_semaphore, #tpu.memory_space<semaphore_mem>>)
      tpu.wait_dma2 semaphore(%run_scoped3A : memref<!tpu.dma_semaphore, #tpu.memory_space<semaphore_mem>>) src(%arg3 : memref<8192xf32, #tpu.memory_space<hbm>>) dst(%arg6 : memref<8192xf32, #tpu.memory_space<vmem>>)
      tpu.yield
    }) : () -> ()
    "tpu.region"() ({
      %run_scoped3A = tpu.sem_alloc : memref<!tpu.dma_semaphore, #tpu.memory_space<semaphore_mem>>
      %dma_start3A_26 = arith.constant 0 : i32
      %dma_start3A_27 = tpu.memref_slice %arg4[%dma_start3A_26] : memref<55296xf32, #tpu.memory_space<hbm>> -> memref<9216xf32, #tpu.memory_space<hbm>>
      %dma_start3A_28 = arith.constant 0 : i32
      %dma_start3A_29 = tpu.memref_slice %arg4[%dma_start3A_28] : memref<55296xf32, #tpu.memory_space<hbm>> -> memref<9216xf32, #tpu.memory_space<hbm>>
      tpu.enqueue_dma source(%dma_start3A_29 : memref<9216xf32, #tpu.memory_space<hbm>>) target(%arg7 : memref<9216xf32, #tpu.memory_space<vmem>>) target_semaphore(%run_scoped3A : memref<!tpu.dma_semaphore, #tpu.memory_space<semaphore_mem>>)
      %dma_wait3A_30 = arith.constant 0 : i32
      %dma_wait3A_31 = tpu.memref_slice %arg4[%dma_wait3A_30] : memref<55296xf32, #tpu.memory_space<hbm>> -> memref<9216xf32, #tpu.memory_space<hbm>>
      %dma_wait3A_32 = arith.constant 0 : i32
      %dma_wait3A_33 = tpu.memref_slice %arg4[%dma_wait3A_32] : memref<55296xf32, #tpu.memory_space<hbm>> -> memref<9216xf32, #tpu.memory_space<hbm>>
      tpu.wait_dma2 semaphore(%run_scoped3A : memref<!tpu.dma_semaphore, #tpu.memory_space<semaphore_mem>>) src(%dma_wait3A_33 : memref<9216xf32, #tpu.memory_space<hbm>>) dst(%arg7 : memref<9216xf32, #tpu.memory_space<vmem>>)
      tpu.yield
    }) : () -> ()
    "tpu.region"() ({
      %run_scoped3A = tpu.sem_alloc : memref<!tpu.dma_semaphore, #tpu.memory_space<semaphore_mem>>
      %dma_start3A_26 = arith.constant 9216 : i32
      %dma_start3A_27 = tpu.memref_slice %arg4[%dma_start3A_26] : memref<55296xf32, #tpu.memory_space<hbm>> -> memref<9216xf32, #tpu.memory_space<hbm>>
      %dma_start3A_28 = arith.constant 9216 : i32
      %dma_start3A_29 = tpu.memref_slice %arg4[%dma_start3A_28] : memref<55296xf32, #tpu.memory_space<hbm>> -> memref<9216xf32, #tpu.memory_space<hbm>>
      tpu.enqueue_dma source(%dma_start3A_29 : memref<9216xf32, #tpu.memory_space<hbm>>) target(%arg8 : memref<9216xf32, #tpu.memory_space<vmem>>) target_semaphore(%run_scoped3A : memref<!tpu.dma_semaphore, #tpu.memory_space<semaphore_mem>>)
      %dma_wait3A_30 = arith.constant 9216 : i32
      %dma_wait3A_31 = tpu.memref_slice %arg4[%dma_wait3A_30] : memref<55296xf32, #tpu.memory_space<hbm>> -> memref<9216xf32, #tpu.memory_space<hbm>>
      %dma_wait3A_32 = arith.constant 9216 : i32
      %dma_wait3A_33 = tpu.memref_slice %arg4[%dma_wait3A_32] : memref<55296xf32, #tpu.memory_space<hbm>> -> memref<9216xf32, #tpu.memory_space<hbm>>
      tpu.wait_dma2 semaphore(%run_scoped3A : memref<!tpu.dma_semaphore, #tpu.memory_space<semaphore_mem>>) src(%dma_wait3A_33 : memref<9216xf32, #tpu.memory_space<hbm>>) dst(%arg8 : memref<9216xf32, #tpu.memory_space<vmem>>)
      tpu.yield
    }) : () -> ()
    "tpu.region"() ({
      %run_scoped3A = tpu.sem_alloc : memref<!tpu.dma_semaphore, #tpu.memory_space<semaphore_mem>>
      %dma_start3A_26 = arith.constant 18432 : i32
      %dma_start3A_27 = tpu.memref_slice %arg4[%dma_start3A_26] : memref<55296xf32, #tpu.memory_space<hbm>> -> memref<9216xf32, #tpu.memory_space<hbm>>
      %dma_start3A_28 = arith.constant 18432 : i32
      %dma_start3A_29 = tpu.memref_slice %arg4[%dma_start3A_28] : memref<55296xf32, #tpu.memory_space<hbm>> -> memref<9216xf32, #tpu.memory_space<hbm>>
      tpu.enqueue_dma source(%dma_start3A_29 : memref<9216xf32, #tpu.memory_space<hbm>>) target(%arg9 : memref<9216xf32, #tpu.memory_space<vmem>>) target_semaphore(%run_scoped3A : memref<!tpu.dma_semaphore, #tpu.memory_space<semaphore_mem>>)
      %dma_wait3A_30 = arith.constant 18432 : i32
      %dma_wait3A_31 = tpu.memref_slice %arg4[%dma_wait3A_30] : memref<55296xf32, #tpu.memory_space<hbm>> -> memref<9216xf32, #tpu.memory_space<hbm>>
      %dma_wait3A_32 = arith.constant 18432 : i32
      %dma_wait3A_33 = tpu.memref_slice %arg4[%dma_wait3A_32] : memref<55296xf32, #tpu.memory_space<hbm>> -> memref<9216xf32, #tpu.memory_space<hbm>>
      tpu.wait_dma2 semaphore(%run_scoped3A : memref<!tpu.dma_semaphore, #tpu.memory_space<semaphore_mem>>) src(%dma_wait3A_33 : memref<9216xf32, #tpu.memory_space<hbm>>) dst(%arg9 : memref<9216xf32, #tpu.memory_space<vmem>>)
      tpu.yield
    }) : () -> ()
    "tpu.region"() ({
      %run_scoped3A = tpu.sem_alloc : memref<!tpu.dma_semaphore, #tpu.memory_space<semaphore_mem>>
      %dma_start3A_26 = arith.constant 27648 : i32
      %dma_start3A_27 = tpu.memref_slice %arg4[%dma_start3A_26] : memref<55296xf32, #tpu.memory_space<hbm>> -> memref<9216xf32, #tpu.memory_space<hbm>>
      %dma_start3A_28 = arith.constant 27648 : i32
      %dma_start3A_29 = tpu.memref_slice %arg4[%dma_start3A_28] : memref<55296xf32, #tpu.memory_space<hbm>> -> memref<9216xf32, #tpu.memory_space<hbm>>
      tpu.enqueue_dma source(%dma_start3A_29 : memref<9216xf32, #tpu.memory_space<hbm>>) target(%arg10 : memref<9216xf32, #tpu.memory_space<vmem>>) target_semaphore(%run_scoped3A : memref<!tpu.dma_semaphore, #tpu.memory_space<semaphore_mem>>)
      %dma_wait3A_30 = arith.constant 27648 : i32
      %dma_wait3A_31 = tpu.memref_slice %arg4[%dma_wait3A_30] : memref<55296xf32, #tpu.memory_space<hbm>> -> memref<9216xf32, #tpu.memory_space<hbm>>
      %dma_wait3A_32 = arith.constant 27648 : i32
      %dma_wait3A_33 = tpu.memref_slice %arg4[%dma_wait3A_32] : memref<55296xf32, #tpu.memory_space<hbm>> -> memref<9216xf32, #tpu.memory_space<hbm>>
      tpu.wait_dma2 semaphore(%run_scoped3A : memref<!tpu.dma_semaphore, #tpu.memory_space<semaphore_mem>>) src(%dma_wait3A_33 : memref<9216xf32, #tpu.memory_space<hbm>>) dst(%arg10 : memref<9216xf32, #tpu.memory_space<vmem>>)
      tpu.yield
    }) : () -> ()
    "tpu.region"() ({
      %run_scoped3A = tpu.sem_alloc : memref<!tpu.dma_semaphore, #tpu.memory_space<semaphore_mem>>
      %dma_start3A_26 = arith.constant 36864 : i32
      %dma_start3A_27 = tpu.memref_slice %arg4[%dma_start3A_26] : memref<55296xf32, #tpu.memory_space<hbm>> -> memref<9216xf32, #tpu.memory_space<hbm>>
      %dma_start3A_28 = arith.constant 36864 : i32
      %dma_start3A_29 = tpu.memref_slice %arg4[%dma_start3A_28] : memref<55296xf32, #tpu.memory_space<hbm>> -> memref<9216xf32, #tpu.memory_space<hbm>>
      tpu.enqueue_dma source(%dma_start3A_29 : memref<9216xf32, #tpu.memory_space<hbm>>) target(%arg11 : memref<9216xf32, #tpu.memory_space<vmem>>) target_semaphore(%run_scoped3A : memref<!tpu.dma_semaphore, #tpu.memory_space<semaphore_mem>>)
      %dma_wait3A_30 = arith.constant 36864 : i32
      %dma_wait3A_31 = tpu.memref_slice %arg4[%dma_wait3A_30] : memref<55296xf32, #tpu.memory_space<hbm>> -> memref<9216xf32, #tpu.memory_space<hbm>>
      %dma_wait3A_32 = arith.constant 36864 : i32
      %dma_wait3A_33 = tpu.memref_slice %arg4[%dma_wait3A_32] : memref<55296xf32, #tpu.memory_space<hbm>> -> memref<9216xf32, #tpu.memory_space<hbm>>
      tpu.wait_dma2 semaphore(%run_scoped3A : memref<!tpu.dma_semaphore, #tpu.memory_space<semaphore_mem>>) src(%dma_wait3A_33 : memref<9216xf32, #tpu.memory_space<hbm>>) dst(%arg11 : memref<9216xf32, #tpu.memory_space<vmem>>)
      tpu.yield
    }) : () -> ()
    "tpu.region"() ({
      %run_scoped3A = tpu.sem_alloc : memref<!tpu.dma_semaphore, #tpu.memory_space<semaphore_mem>>
      %dma_start3A_26 = arith.constant 46080 : i32
      %dma_start3A_27 = tpu.memref_slice %arg4[%dma_start3A_26] : memref<55296xf32, #tpu.memory_space<hbm>> -> memref<9216xf32, #tpu.memory_space<hbm>>
      %dma_start3A_28 = arith.constant 46080 : i32
      %dma_start3A_29 = tpu.memref_slice %arg4[%dma_start3A_28] : memref<55296xf32, #tpu.memory_space<hbm>> -> memref<9216xf32, #tpu.memory_space<hbm>>
      tpu.enqueue_dma source(%dma_start3A_29 : memref<9216xf32, #tpu.memory_space<hbm>>) target(%arg12 : memref<9216xf32, #tpu.memory_space<vmem>>) target_semaphore(%run_scoped3A : memref<!tpu.dma_semaphore, #tpu.memory_space<semaphore_mem>>)
      %dma_wait3A_30 = arith.constant 46080 : i32
      %dma_wait3A_31 = tpu.memref_slice %arg4[%dma_wait3A_30] : memref<55296xf32, #tpu.memory_space<hbm>> -> memref<9216xf32, #tpu.memory_space<hbm>>
      %dma_wait3A_32 = arith.constant 46080 : i32
      %dma_wait3A_33 = tpu.memref_slice %arg4[%dma_wait3A_32] : memref<55296xf32, #tpu.memory_space<hbm>> -> memref<9216xf32, #tpu.memory_space<hbm>>
      tpu.wait_dma2 semaphore(%run_scoped3A : memref<!tpu.dma_semaphore, #tpu.memory_space<semaphore_mem>>) src(%dma_wait3A_33 : memref<9216xf32, #tpu.memory_space<hbm>>) dst(%arg12 : memref<9216xf32, #tpu.memory_space<vmem>>)
      tpu.yield
    }) : () -> ()
    %iota3A = tpu.iota {dimensions = array<i32: 0>} : vector<16xi32>
    %add3A_3 = arith.constant 0 : i32
    %add3A_4 = arith.addi %multiple_of3A, %add3A_3 : i32
    %multiple_of3A_5 = tpu.assume_multiple %add3A_4, 8192 : i32
    %dma_start3A = tpu.memref_slice %arg2[%multiple_of3A_5] : memref<8388608xf32, #tpu.memory_space<hbm>> -> memref<8192xf32, #tpu.memory_space<hbm>>
    %dma_start3A_6 = tpu.memref_slice %arg2[%multiple_of3A_5] : memref<8388608xf32, #tpu.memory_space<hbm>> -> memref<8192xf32, #tpu.memory_space<hbm>>
    tpu.enqueue_dma source(%dma_start3A_6 : memref<8192xf32, #tpu.memory_space<hbm>>) target(%arg13 : memref<8192xf32, #tpu.memory_space<vmem>>) target_semaphore(%arg17 : memref<!tpu.dma_semaphore, #tpu.memory_space<semaphore_mem>>)
    %add3A_7 = arith.constant 8192 : i32
    %add3A_8 = arith.addi %multiple_of3A, %add3A_7 : i32
    %multiple_of3A_9 = tpu.assume_multiple %add3A_8, 8192 : i32
    %dma_start3A_10 = tpu.memref_slice %arg2[%multiple_of3A_9] : memref<8388608xf32, #tpu.memory_space<hbm>> -> memref<8192xf32, #tpu.memory_space<hbm>>
    %dma_start3A_11 = tpu.memref_slice %arg2[%multiple_of3A_9] : memref<8388608xf32, #tpu.memory_space<hbm>> -> memref<8192xf32, #tpu.memory_space<hbm>>
    tpu.enqueue_dma source(%dma_start3A_11 : memref<8192xf32, #tpu.memory_space<hbm>>) target(%arg14 : memref<8192xf32, #tpu.memory_space<vmem>>) target_semaphore(%arg18 : memref<!tpu.dma_semaphore, #tpu.memory_space<semaphore_mem>>)
    %scan3A = arith.constant 0 : i32
    %scan3A_12 = arith.constant 0 : i32
    %scan3A_13 = arith.constant 16 : i32
    %scan3A_14 = arith.addi %scan3A_12, %scan3A_13 : i32
    %scan3A_15 = arith.constant 1 : i32
    scf.for %scan3A_26 = %scan3A_12 to %scan3A_14 step %scan3A_15  : i32 {
      %mul3A_27 = arith.constant 2 : i32
      %mul3A_28 = arith.muli %scan3A_26, %mul3A_27 : i32
      %add3A_29 = arith.constant 0 : i32
      %add3A_30 = arith.addi %mul3A_28, %add3A_29 : i32
      %add3A_31 = arith.constant 0 : i32
      %add3A_32 = arith.addi %multiple_of3A, %add3A_31 : i32
      %multiple_of3A_33 = tpu.assume_multiple %add3A_32, 8192 : i32
      %dma_wait3A_34 = tpu.memref_slice %arg2[%multiple_of3A_33] : memref<8388608xf32, #tpu.memory_space<hbm>> -> memref<8192xf32, #tpu.memory_space<hbm>>
      %dma_wait3A_35 = tpu.memref_slice %arg2[%multiple_of3A_33] : memref<8388608xf32, #tpu.memory_space<hbm>> -> memref<8192xf32, #tpu.memory_space<hbm>>
      tpu.wait_dma2 semaphore(%arg17 : memref<!tpu.dma_semaphore, #tpu.memory_space<semaphore_mem>>) src(%dma_wait3A_35 : memref<8192xf32, #tpu.memory_space<hbm>>) dst(%arg13 : memref<8192xf32, #tpu.memory_space<vmem>>)
      %ge3A = arith.constant 2 : i32
      %ge3A_36 = arith.cmpi sge, %mul3A_28, %ge3A : i32
      %convert_element_type3A = arith.extui %ge3A_36 : i1 to i32
      %cond3A = arith.constant 0 : i32
      %cond3A_37 = arith.cmpi ne, %convert_element_type3A, %cond3A : i32
      scf.if %cond3A_37 {
        %add3A_80 = arith.constant 0 : i32
        %add3A_81 = arith.addi %multiple_of3A, %add3A_80 : i32
        %multiple_of3A_82 = tpu.assume_multiple %add3A_81, 8192 : i32
        %dma_wait3A_83 = tpu.memref_slice %arg5[%multiple_of3A_82] : memref<8388608xf32, #tpu.memory_space<hbm>> -> memref<8192xf32, #tpu.memory_space<hbm>>
        %dma_wait3A_84 = tpu.memref_slice %arg5[%multiple_of3A_82] : memref<8388608xf32, #tpu.memory_space<hbm>> -> memref<8192xf32, #tpu.memory_space<hbm>>
        tpu.wait_dma2 semaphore(%arg19 : memref<!tpu.dma_semaphore, #tpu.memory_space<semaphore_mem>>) src(%arg15 : memref<8192xf32, #tpu.memory_space<vmem>>) dst(%dma_wait3A_84 : memref<8192xf32, #tpu.memory_space<hbm>>)
      } else {
      }
      %parallel_loop3A = arith.constant 0 : i32
      %parallel_loop3A_38 = arith.constant 512 : i32
      %parallel_loop3A_39 = arith.constant 1 : i32
      scf.for %parallel_loop3A_80 = %parallel_loop3A to %parallel_loop3A_38 step %parallel_loop3A_39  : i32 {
        %parallel_loop3A_81 = arith.constant 16 : i32
        %parallel_loop3A_82 = arith.muli %parallel_loop3A_80, %parallel_loop3A_81 : i32
        %parallel_loop3A_83 = arith.constant 511 : i32
        %parallel_loop3A_84 = arith.andi %parallel_loop3A_82, %parallel_loop3A_83 : i32
        %parallel_loop3A_85 = vector.broadcast %parallel_loop3A_84 : i32 to vector<16xi32>
        %parallel_loop3A_86 = arith.addi %parallel_loop3A_85, %iota3A : vector<16xi32>
        %parallel_loop3A_87 = arith.index_cast %parallel_loop3A_82 : i32 to index
        %parallel_loop3A_88 = tpu.vector_load %arg13[%parallel_loop3A_87] {strides = array<i32>} : memref<8192xf32, #tpu.memory_space<vmem>>, vector<16xf32>,
        %parallel_loop3A_89 = arith.constant 3584 : i32
        %parallel_loop3A_90 = vector.broadcast %parallel_loop3A_89 : i32 to vector<16xi32>
        %parallel_loop3A_91 = arith.addi %parallel_loop3A_86, %parallel_loop3A_90 : vector<16xi32>
        %parallel_loop3A_92 = tpu.vector_load_idx %arg6[%parallel_loop3A_91] : memref<8192xf32, #tpu.memory_space<vmem>>[vector<16xi32>], vector<16xf32>,
        %parallel_loop3A_93 = arith.cmpf oge, %parallel_loop3A_88, %parallel_loop3A_92 : vector<16xf32>
        %parallel_loop3A_94 = arith.constant 4096 : i32
        %parallel_loop3A_95 = vector.broadcast %parallel_loop3A_94 : i32 to vector<16xi32>
        %parallel_loop3A_96 = arith.addi %parallel_loop3A_86, %parallel_loop3A_95 : vector<16xi32>
        %parallel_loop3A_97 = arith.select %parallel_loop3A_93, %parallel_loop3A_96, %parallel_loop3A_86 : vector<16xi1>, vector<16xi32>
        %parallel_loop3A_98 = arith.constant 1536 : i32
        %parallel_loop3A_99 = vector.broadcast %parallel_loop3A_98 : i32 to vector<16xi32>
        %parallel_loop3A_100 = arith.addi %parallel_loop3A_97, %parallel_loop3A_99 : vector<16xi32>
        %parallel_loop3A_101 = tpu.vector_load_idx %arg6[%parallel_loop3A_100] : memref<8192xf32, #tpu.memory_space<vmem>>[vector<16xi32>], vector<16xf32>,
        %parallel_loop3A_102 = arith.cmpf oge, %parallel_loop3A_88, %parallel_loop3A_101 : vector<16xf32>
        %parallel_loop3A_103 = arith.constant 2048 : i32
        %parallel_loop3A_104 = vector.broadcast %parallel_loop3A_103 : i32 to vector<16xi32>
        %parallel_loop3A_105 = arith.addi %parallel_loop3A_97, %parallel_loop3A_104 : vector<16xi32>
        %parallel_loop3A_106 = arith.select %parallel_loop3A_102, %parallel_loop3A_105, %parallel_loop3A_97 : vector<16xi1>, vector<16xi32>
        %parallel_loop3A_107 = arith.constant 512 : i32
        %parallel_loop3A_108 = vector.broadcast %parallel_loop3A_107 : i32 to vector<16xi32>
        %parallel_loop3A_109 = arith.addi %parallel_loop3A_106, %parallel_loop3A_108 : vector<16xi32>
        %parallel_loop3A_110 = tpu.vector_load_idx %arg6[%parallel_loop3A_109] : memref<8192xf32, #tpu.memory_space<vmem>>[vector<16xi32>], vector<16xf32>,
        %parallel_loop3A_111 = arith.cmpf oge, %parallel_loop3A_88, %parallel_loop3A_110 : vector<16xf32>
        %parallel_loop3A_112 = arith.constant 1024 : i32
        %parallel_loop3A_113 = vector.broadcast %parallel_loop3A_112 : i32 to vector<16xi32>
        %parallel_loop3A_114 = arith.addi %parallel_loop3A_106, %parallel_loop3A_113 : vector<16xi32>
        %parallel_loop3A_115 = arith.select %parallel_loop3A_111, %parallel_loop3A_114, %parallel_loop3A_106 : vector<16xi1>, vector<16xi32>
        %parallel_loop3A_116 = arith.constant 0 : i32
        %parallel_loop3A_117 = vector.broadcast %parallel_loop3A_116 : i32 to vector<16xi32>
        %parallel_loop3A_118 = arith.addi %parallel_loop3A_115, %parallel_loop3A_117 : vector<16xi32>
        %parallel_loop3A_119 = tpu.vector_load_idx %arg6[%parallel_loop3A_118] : memref<8192xf32, #tpu.memory_space<vmem>>[vector<16xi32>], vector<16xf32>,
        %parallel_loop3A_120 = arith.cmpf oge, %parallel_loop3A_88, %parallel_loop3A_119 : vector<16xf32>
        %parallel_loop3A_121 = arith.constant 512 : i32
        %parallel_loop3A_122 = vector.broadcast %parallel_loop3A_121 : i32 to vector<16xi32>
        %parallel_loop3A_123 = arith.addi %parallel_loop3A_115, %parallel_loop3A_122 : vector<16xi32>
        %parallel_loop3A_124 = arith.select %parallel_loop3A_120, %parallel_loop3A_123, %parallel_loop3A_115 : vector<16xi1>, vector<16xi32>
        %parallel_loop3A_125 = arith.constant -5.000000e+00 : f32
        %parallel_loop3A_126 = vector.broadcast %parallel_loop3A_125 : f32 to vector<16xf32>
        %parallel_loop3A_127 = arith.cmpf olt, %parallel_loop3A_88, %parallel_loop3A_126 : vector<16xf32>
        %parallel_loop3A_128 = arith.constant 0 : i32
        %parallel_loop3A_129 = arith.constant 512 : i32
        %parallel_loop3A_130 = vector.broadcast %parallel_loop3A_128 : i32 to vector<16xi32>
        %parallel_loop3A_131 = vector.broadcast %parallel_loop3A_129 : i32 to vector<16xi32>
        %parallel_loop3A_132 = arith.select %parallel_loop3A_127, %parallel_loop3A_130, %parallel_loop3A_131 : vector<16xi1>, vector<16xi32>
        %parallel_loop3A_133 = arith.addi %parallel_loop3A_124, %parallel_loop3A_132 : vector<16xi32>
        %parallel_loop3A_134 = arith.constant 5.000000e+00 : f32
        %parallel_loop3A_135 = vector.broadcast %parallel_loop3A_134 : f32 to vector<16xf32>
        %parallel_loop3A_136 = arith.cmpf ogt, %parallel_loop3A_88, %parallel_loop3A_135 : vector<16xf32>
        %parallel_loop3A_137 = arith.constant 512 : i32
        %parallel_loop3A_138 = arith.constant 0 : i32
        %parallel_loop3A_139 = vector.broadcast %parallel_loop3A_137 : i32 to vector<16xi32>
        %parallel_loop3A_140 = vector.broadcast %parallel_loop3A_138 : i32 to vector<16xi32>
        %parallel_loop3A_141 = arith.select %parallel_loop3A_136, %parallel_loop3A_139, %parallel_loop3A_140 : vector<16xi1>, vector<16xi32>
        %parallel_loop3A_142 = arith.addi %parallel_loop3A_133, %parallel_loop3A_141 : vector<16xi32>
        %parallel_loop3A_143 = tpu.vector_load_idx %arg7[%parallel_loop3A_142] : memref<9216xf32, #tpu.memory_space<vmem>>[vector<16xi32>], vector<16xf32>,
        %parallel_loop3A_144 = tpu.vector_load_idx %arg8[%parallel_loop3A_142] : memref<9216xf32, #tpu.memory_space<vmem>>[vector<16xi32>], vector<16xf32>,
        %parallel_loop3A_145 = tpu.vector_load_idx %arg9[%parallel_loop3A_142] : memref<9216xf32, #tpu.memory_space<vmem>>[vector<16xi32>], vector<16xf32>,
        %parallel_loop3A_146 = tpu.vector_load_idx %arg10[%parallel_loop3A_142] : memref<9216xf32, #tpu.memory_space<vmem>>[vector<16xi32>], vector<16xf32>,
        %parallel_loop3A_147 = tpu.vector_load_idx %arg11[%parallel_loop3A_142] : memref<9216xf32, #tpu.memory_space<vmem>>[vector<16xi32>], vector<16xf32>,
        %parallel_loop3A_148 = tpu.vector_load_idx %arg12[%parallel_loop3A_142] : memref<9216xf32, #tpu.memory_space<vmem>>[vector<16xi32>], vector<16xf32>,
        %parallel_loop3A_149 = arith.subf %parallel_loop3A_88, %parallel_loop3A_143 : vector<16xf32>
        %parallel_loop3A_150 = arith.mulf %parallel_loop3A_149, %parallel_loop3A_144 : vector<16xf32>
        %parallel_loop3A_151 = arith.constant 1.000000e+00 : f32
        %parallel_loop3A_152 = vector.broadcast %parallel_loop3A_151 : f32 to vector<16xf32>
        %parallel_loop3A_153 = arith.subf %parallel_loop3A_152, %parallel_loop3A_150 : vector<16xf32>
        %parallel_loop3A_154 = arith.mulf %parallel_loop3A_150, %parallel_loop3A_153 : vector<16xf32>
        %parallel_loop3A_155 = arith.mulf %parallel_loop3A_145, %parallel_loop3A_150 : vector<16xf32>
        %parallel_loop3A_156 = arith.addf %parallel_loop3A_155, %parallel_loop3A_146 : vector<16xf32>
        %parallel_loop3A_157 = arith.mulf %parallel_loop3A_150, %parallel_loop3A_156 : vector<16xf32>
        %parallel_loop3A_158 = arith.mulf %parallel_loop3A_147, %parallel_loop3A_154 : vector<16xf32>
        %parallel_loop3A_159 = arith.constant 1.000000e+00 : f32
        %parallel_loop3A_160 = vector.broadcast %parallel_loop3A_159 : f32 to vector<16xf32>
        %parallel_loop3A_161 = arith.addf %parallel_loop3A_160, %parallel_loop3A_158 : vector<16xf32>
        %parallel_loop3A_162 = arith.divf %parallel_loop3A_157, %parallel_loop3A_161 : vector<16xf32>
        %parallel_loop3A_163 = arith.addf %parallel_loop3A_148, %parallel_loop3A_162 : vector<16xf32>
        %parallel_loop3A_164 = arith.index_cast %parallel_loop3A_82 : i32 to index
        %parallel_loop3A_165 = tpu.vector_load %arg15[%parallel_loop3A_164] {strides = array<i32>} : memref<8192xf32, #tpu.memory_space<vmem>>, vector<16xf32>,
        tpu.vector_store %arg15[%parallel_loop3A_164], %parallel_loop3A_163 {strides = array<i32>} : memref<8192xf32, #tpu.memory_space<vmem>>, vector<16xf32>,
      } {sc.loop_unroll_factor = 4 : i64, sc.parallel_access}
      %mul3A_40 = arith.constant 8192 : i32
      %mul3A_41 = arith.muli %add3A_30, %mul3A_40 : i32
      %add3A_42 = arith.addi %multiple_of3A, %mul3A_41 : i32
      %multiple_of3A_43 = tpu.assume_multiple %add3A_42, 8192 : i32
      %dma_start3A_44 = tpu.memref_slice %arg5[%multiple_of3A_43] : memref<8388608xf32, #tpu.memory_space<hbm>> -> memref<8192xf32, #tpu.memory_space<hbm>>
      %dma_start3A_45 = tpu.memref_slice %arg5[%multiple_of3A_43] : memref<8388608xf32, #tpu.memory_space<hbm>> -> memref<8192xf32, #tpu.memory_space<hbm>>
      tpu.enqueue_dma source(%arg15 : memref<8192xf32, #tpu.memory_space<vmem>>) target(%dma_start3A_45 : memref<8192xf32, #tpu.memory_space<hbm>>) target_semaphore(%arg19 : memref<!tpu.dma_semaphore, #tpu.memory_space<semaphore_mem>>)
      %add3A_46 = arith.constant 2 : i32
      %add3A_47 = arith.addi %mul3A_28, %add3A_46 : i32
      %lt3A = arith.constant 32 : i32
      %lt3A_48 = arith.cmpi slt, %add3A_47, %lt3A : i32
      %convert_element_type3A_49 = arith.extui %lt3A_48 : i1 to i32
      %cond3A_50 = arith.constant 0 : i32
      %cond3A_51 = arith.cmpi ne, %convert_element_type3A_49, %cond3A_50 : i32
      scf.if %cond3A_51 {
        %add3A_80 = arith.constant 2 : i32
        %add3A_81 = arith.addi %add3A_30, %add3A_80 : i32
        %mul3A_82 = arith.constant 8192 : i32
        %mul3A_83 = arith.muli %add3A_81, %mul3A_82 : i32
        %add3A_84 = arith.addi %multiple_of3A, %mul3A_83 : i32
        %multiple_of3A_85 = tpu.assume_multiple %add3A_84, 8192 : i32
        %dma_start3A_86 = tpu.memref_slice %arg2[%multiple_of3A_85] : memref<8388608xf32, #tpu.memory_space<hbm>> -> memref<8192xf32, #tpu.memory_space<hbm>>
        %dma_start3A_87 = tpu.memref_slice %arg2[%multiple_of3A_85] : memref<8388608xf32, #tpu.memory_space<hbm>> -> memref<8192xf32, #tpu.memory_space<hbm>>
        tpu.enqueue_dma source(%dma_start3A_87 : memref<8192xf32, #tpu.memory_space<hbm>>) target(%arg13 : memref<8192xf32, #tpu.memory_space<vmem>>) target_semaphore(%arg17 : memref<!tpu.dma_semaphore, #tpu.memory_space<semaphore_mem>>)
      } else {
      }
      %add3A_52 = arith.constant 1 : i32
      %add3A_53 = arith.addi %mul3A_28, %add3A_52 : i32
      %add3A_54 = arith.constant 0 : i32
      %add3A_55 = arith.addi %multiple_of3A, %add3A_54 : i32
      %multiple_of3A_56 = tpu.assume_multiple %add3A_55, 8192 : i32
      %dma_wait3A_57 = tpu.memref_slice %arg2[%multiple_of3A_56] : memref<8388608xf32, #tpu.memory_space<hbm>> -> memref<8192xf32, #tpu.memory_space<hbm>>
      %dma_wait3A_58 = tpu.memref_slice %arg2[%multiple_of3A_56] : memref<8388608xf32, #tpu.memory_space<hbm>> -> memref<8192xf32, #tpu.memory_space<hbm>>
      tpu.wait_dma2 semaphore(%arg18 : memref<!tpu.dma_semaphore, #tpu.memory_space<semaphore_mem>>) src(%dma_wait3A_58 : memref<8192xf32, #tpu.memory_space<hbm>>) dst(%arg14 : memref<8192xf32, #tpu.memory_space<vmem>>)
      %ge3A_59 = arith.constant 2 : i32
      %ge3A_60 = arith.cmpi sge, %mul3A_28, %ge3A_59 : i32
      %convert_element_type3A_61 = arith.extui %ge3A_60 : i1 to i32
      %cond3A_62 = arith.constant 0 : i32
      %cond3A_63 = arith.cmpi ne, %convert_element_type3A_61, %cond3A_62 : i32
      scf.if %cond3A_63 {
        %add3A_80 = arith.constant 0 : i32
        %add3A_81 = arith.addi %multiple_of3A, %add3A_80 : i32
        %multiple_of3A_82 = tpu.assume_multiple %add3A_81, 8192 : i32
        %dma_wait3A_83 = tpu.memref_slice %arg5[%multiple_of3A_82] : memref<8388608xf32, #tpu.memory_space<hbm>> -> memref<8192xf32, #tpu.memory_space<hbm>>
        %dma_wait3A_84 = tpu.memref_slice %arg5[%multiple_of3A_82] : memref<8388608xf32, #tpu.memory_space<hbm>> -> memref<8192xf32, #tpu.memory_space<hbm>>
        tpu.wait_dma2 semaphore(%arg20 : memref<!tpu.dma_semaphore, #tpu.memory_space<semaphore_mem>>) src(%arg16 : memref<8192xf32, #tpu.memory_space<vmem>>) dst(%dma_wait3A_84 : memref<8192xf32, #tpu.memory_space<hbm>>)
      } else {
      }
      %parallel_loop3A_64 = arith.constant 0 : i32
      %parallel_loop3A_65 = arith.constant 512 : i32
      %parallel_loop3A_66 = arith.constant 1 : i32
      scf.for %parallel_loop3A_80 = %parallel_loop3A_64 to %parallel_loop3A_65 step %parallel_loop3A_66  : i32 {
        %parallel_loop3A_81 = arith.constant 16 : i32
        %parallel_loop3A_82 = arith.muli %parallel_loop3A_80, %parallel_loop3A_81 : i32
        %parallel_loop3A_83 = arith.constant 511 : i32
        %parallel_loop3A_84 = arith.andi %parallel_loop3A_82, %parallel_loop3A_83 : i32
        %parallel_loop3A_85 = vector.broadcast %parallel_loop3A_84 : i32 to vector<16xi32>
        %parallel_loop3A_86 = arith.addi %parallel_loop3A_85, %iota3A : vector<16xi32>
        %parallel_loop3A_87 = arith.index_cast %parallel_loop3A_82 : i32 to index
        %parallel_loop3A_88 = tpu.vector_load %arg14[%parallel_loop3A_87] {strides = array<i32>} : memref<8192xf32, #tpu.memory_space<vmem>>, vector<16xf32>,
        %parallel_loop3A_89 = arith.constant 3584 : i32
        %parallel_loop3A_90 = vector.broadcast %parallel_loop3A_89 : i32 to vector<16xi32>
        %parallel_loop3A_91 = arith.addi %parallel_loop3A_86, %parallel_loop3A_90 : vector<16xi32>
        %parallel_loop3A_92 = tpu.vector_load_idx %arg6[%parallel_loop3A_91] : memref<8192xf32, #tpu.memory_space<vmem>>[vector<16xi32>], vector<16xf32>,
        %parallel_loop3A_93 = arith.cmpf oge, %parallel_loop3A_88, %parallel_loop3A_92 : vector<16xf32>
        %parallel_loop3A_94 = arith.constant 4096 : i32
        %parallel_loop3A_95 = vector.broadcast %parallel_loop3A_94 : i32 to vector<16xi32>
        %parallel_loop3A_96 = arith.addi %parallel_loop3A_86, %parallel_loop3A_95 : vector<16xi32>
        %parallel_loop3A_97 = arith.select %parallel_loop3A_93, %parallel_loop3A_96, %parallel_loop3A_86 : vector<16xi1>, vector<16xi32>
        %parallel_loop3A_98 = arith.constant 1536 : i32
        %parallel_loop3A_99 = vector.broadcast %parallel_loop3A_98 : i32 to vector<16xi32>
        %parallel_loop3A_100 = arith.addi %parallel_loop3A_97, %parallel_loop3A_99 : vector<16xi32>
        %parallel_loop3A_101 = tpu.vector_load_idx %arg6[%parallel_loop3A_100] : memref<8192xf32, #tpu.memory_space<vmem>>[vector<16xi32>], vector<16xf32>,
        %parallel_loop3A_102 = arith.cmpf oge, %parallel_loop3A_88, %parallel_loop3A_101 : vector<16xf32>
        %parallel_loop3A_103 = arith.constant 2048 : i32
        %parallel_loop3A_104 = vector.broadcast %parallel_loop3A_103 : i32 to vector<16xi32>
        %parallel_loop3A_105 = arith.addi %parallel_loop3A_97, %parallel_loop3A_104 : vector<16xi32>
        %parallel_loop3A_106 = arith.select %parallel_loop3A_102, %parallel_loop3A_105, %parallel_loop3A_97 : vector<16xi1>, vector<16xi32>
        %parallel_loop3A_107 = arith.constant 512 : i32
        %parallel_loop3A_108 = vector.broadcast %parallel_loop3A_107 : i32 to vector<16xi32>
        %parallel_loop3A_109 = arith.addi %parallel_loop3A_106, %parallel_loop3A_108 : vector<16xi32>
        %parallel_loop3A_110 = tpu.vector_load_idx %arg6[%parallel_loop3A_109] : memref<8192xf32, #tpu.memory_space<vmem>>[vector<16xi32>], vector<16xf32>,
        %parallel_loop3A_111 = arith.cmpf oge, %parallel_loop3A_88, %parallel_loop3A_110 : vector<16xf32>
        %parallel_loop3A_112 = arith.constant 1024 : i32
        %parallel_loop3A_113 = vector.broadcast %parallel_loop3A_112 : i32 to vector<16xi32>
        %parallel_loop3A_114 = arith.addi %parallel_loop3A_106, %parallel_loop3A_113 : vector<16xi32>
        %parallel_loop3A_115 = arith.select %parallel_loop3A_111, %parallel_loop3A_114, %parallel_loop3A_106 : vector<16xi1>, vector<16xi32>
        %parallel_loop3A_116 = arith.constant 0 : i32
        %parallel_loop3A_117 = vector.broadcast %parallel_loop3A_116 : i32 to vector<16xi32>
        %parallel_loop3A_118 = arith.addi %parallel_loop3A_115, %parallel_loop3A_117 : vector<16xi32>
        %parallel_loop3A_119 = tpu.vector_load_idx %arg6[%parallel_loop3A_118] : memref<8192xf32, #tpu.memory_space<vmem>>[vector<16xi32>], vector<16xf32>,
        %parallel_loop3A_120 = arith.cmpf oge, %parallel_loop3A_88, %parallel_loop3A_119 : vector<16xf32>
        %parallel_loop3A_121 = arith.constant 512 : i32
        %parallel_loop3A_122 = vector.broadcast %parallel_loop3A_121 : i32 to vector<16xi32>
        %parallel_loop3A_123 = arith.addi %parallel_loop3A_115, %parallel_loop3A_122 : vector<16xi32>
        %parallel_loop3A_124 = arith.select %parallel_loop3A_120, %parallel_loop3A_123, %parallel_loop3A_115 : vector<16xi1>, vector<16xi32>
        %parallel_loop3A_125 = arith.constant -5.000000e+00 : f32
        %parallel_loop3A_126 = vector.broadcast %parallel_loop3A_125 : f32 to vector<16xf32>
        %parallel_loop3A_127 = arith.cmpf olt, %parallel_loop3A_88, %parallel_loop3A_126 : vector<16xf32>
        %parallel_loop3A_128 = arith.constant 0 : i32
        %parallel_loop3A_129 = arith.constant 512 : i32
        %parallel_loop3A_130 = vector.broadcast %parallel_loop3A_128 : i32 to vector<16xi32>
        %parallel_loop3A_131 = vector.broadcast %parallel_loop3A_129 : i32 to vector<16xi32>
        %parallel_loop3A_132 = arith.select %parallel_loop3A_127, %parallel_loop3A_130, %parallel_loop3A_131 : vector<16xi1>, vector<16xi32>
        %parallel_loop3A_133 = arith.addi %parallel_loop3A_124, %parallel_loop3A_132 : vector<16xi32>
        %parallel_loop3A_134 = arith.constant 5.000000e+00 : f32
        %parallel_loop3A_135 = vector.broadcast %parallel_loop3A_134 : f32 to vector<16xf32>
        %parallel_loop3A_136 = arith.cmpf ogt, %parallel_loop3A_88, %parallel_loop3A_135 : vector<16xf32>
        %parallel_loop3A_137 = arith.constant 512 : i32
        %parallel_loop3A_138 = arith.constant 0 : i32
        %parallel_loop3A_139 = vector.broadcast %parallel_loop3A_137 : i32 to vector<16xi32>
        %parallel_loop3A_140 = vector.broadcast %parallel_loop3A_138 : i32 to vector<16xi32>
        %parallel_loop3A_141 = arith.select %parallel_loop3A_136, %parallel_loop3A_139, %parallel_loop3A_140 : vector<16xi1>, vector<16xi32>
        %parallel_loop3A_142 = arith.addi %parallel_loop3A_133, %parallel_loop3A_141 : vector<16xi32>
        %parallel_loop3A_143 = tpu.vector_load_idx %arg7[%parallel_loop3A_142] : memref<9216xf32, #tpu.memory_space<vmem>>[vector<16xi32>], vector<16xf32>,
        %parallel_loop3A_144 = tpu.vector_load_idx %arg8[%parallel_loop3A_142] : memref<9216xf32, #tpu.memory_space<vmem>>[vector<16xi32>], vector<16xf32>,
        %parallel_loop3A_145 = tpu.vector_load_idx %arg9[%parallel_loop3A_142] : memref<9216xf32, #tpu.memory_space<vmem>>[vector<16xi32>], vector<16xf32>,
        %parallel_loop3A_146 = tpu.vector_load_idx %arg10[%parallel_loop3A_142] : memref<9216xf32, #tpu.memory_space<vmem>>[vector<16xi32>], vector<16xf32>,
        %parallel_loop3A_147 = tpu.vector_load_idx %arg11[%parallel_loop3A_142] : memref<9216xf32, #tpu.memory_space<vmem>>[vector<16xi32>], vector<16xf32>,
        %parallel_loop3A_148 = tpu.vector_load_idx %arg12[%parallel_loop3A_142] : memref<9216xf32, #tpu.memory_space<vmem>>[vector<16xi32>], vector<16xf32>,
        %parallel_loop3A_149 = arith.subf %parallel_loop3A_88, %parallel_loop3A_143 : vector<16xf32>
        %parallel_loop3A_150 = arith.mulf %parallel_loop3A_149, %parallel_loop3A_144 : vector<16xf32>
        %parallel_loop3A_151 = arith.constant 1.000000e+00 : f32
        %parallel_loop3A_152 = vector.broadcast %parallel_loop3A_151 : f32 to vector<16xf32>
        %parallel_loop3A_153 = arith.subf %parallel_loop3A_152, %parallel_loop3A_150 : vector<16xf32>
        %parallel_loop3A_154 = arith.mulf %parallel_loop3A_150, %parallel_loop3A_153 : vector<16xf32>
        %parallel_loop3A_155 = arith.mulf %parallel_loop3A_145, %parallel_loop3A_150 : vector<16xf32>
        %parallel_loop3A_156 = arith.addf %parallel_loop3A_155, %parallel_loop3A_146 : vector<16xf32>
        %parallel_loop3A_157 = arith.mulf %parallel_loop3A_150, %parallel_loop3A_156 : vector<16xf32>
        %parallel_loop3A_158 = arith.mulf %parallel_loop3A_147, %parallel_loop3A_154 : vector<16xf32>
        %parallel_loop3A_159 = arith.constant 1.000000e+00 : f32
        %parallel_loop3A_160 = vector.broadcast %parallel_loop3A_159 : f32 to vector<16xf32>
        %parallel_loop3A_161 = arith.addf %parallel_loop3A_160, %parallel_loop3A_158 : vector<16xf32>
        %parallel_loop3A_162 = arith.divf %parallel_loop3A_157, %parallel_loop3A_161 : vector<16xf32>
        %parallel_loop3A_163 = arith.addf %parallel_loop3A_148, %parallel_loop3A_162 : vector<16xf32>
        %parallel_loop3A_164 = arith.index_cast %parallel_loop3A_82 : i32 to index
        %parallel_loop3A_165 = tpu.vector_load %arg16[%parallel_loop3A_164] {strides = array<i32>} : memref<8192xf32, #tpu.memory_space<vmem>>, vector<16xf32>,
        tpu.vector_store %arg16[%parallel_loop3A_164], %parallel_loop3A_163 {strides = array<i32>} : memref<8192xf32, #tpu.memory_space<vmem>>, vector<16xf32>,
      } {sc.loop_unroll_factor = 4 : i64, sc.parallel_access}
      %mul3A_67 = arith.constant 8192 : i32
      %mul3A_68 = arith.muli %add3A_53, %mul3A_67 : i32
      %add3A_69 = arith.addi %multiple_of3A, %mul3A_68 : i32
      %multiple_of3A_70 = tpu.assume_multiple %add3A_69, 8192 : i32
      %dma_start3A_71 = tpu.memref_slice %arg5[%multiple_of3A_70] : memref<8388608xf32, #tpu.memory_space<hbm>> -> memref<8192xf32, #tpu.memory_space<hbm>>
      %dma_start3A_72 = tpu.memref_slice %arg5[%multiple_of3A_70] : memref<8388608xf32, #tpu.memory_space<hbm>> -> memref<8192xf32, #tpu.memory_space<hbm>>
      tpu.enqueue_dma source(%arg16 : memref<8192xf32, #tpu.memory_space<vmem>>) target(%dma_start3A_72 : memref<8192xf32, #tpu.memory_space<hbm>>) target_semaphore(%arg20 : memref<!tpu.dma_semaphore, #tpu.memory_space<semaphore_mem>>)
      %add3A_73 = arith.constant 2 : i32
      %add3A_74 = arith.addi %mul3A_28, %add3A_73 : i32
      %lt3A_75 = arith.constant 32 : i32
      %lt3A_76 = arith.cmpi slt, %add3A_74, %lt3A_75 : i32
      %convert_element_type3A_77 = arith.extui %lt3A_76 : i1 to i32
      %cond3A_78 = arith.constant 0 : i32
      %cond3A_79 = arith.cmpi ne, %convert_element_type3A_77, %cond3A_78 : i32
      scf.if %cond3A_79 {
        %add3A_80 = arith.constant 2 : i32
        %add3A_81 = arith.addi %add3A_53, %add3A_80 : i32
        %mul3A_82 = arith.constant 8192 : i32
        %mul3A_83 = arith.muli %add3A_81, %mul3A_82 : i32
        %add3A_84 = arith.addi %multiple_of3A, %mul3A_83 : i32
        %multiple_of3A_85 = tpu.assume_multiple %add3A_84, 8192 : i32
        %dma_start3A_86 = tpu.memref_slice %arg2[%multiple_of3A_85] : memref<8388608xf32, #tpu.memory_space<hbm>> -> memref<8192xf32, #tpu.memory_space<hbm>>
        %dma_start3A_87 = tpu.memref_slice %arg2[%multiple_of3A_85] : memref<8388608xf32, #tpu.memory_space<hbm>> -> memref<8192xf32, #tpu.memory_space<hbm>>
        tpu.enqueue_dma source(%dma_start3A_87 : memref<8192xf32, #tpu.memory_space<hbm>>) target(%arg14 : memref<8192xf32, #tpu.memory_space<vmem>>) target_semaphore(%arg18 : memref<!tpu.dma_semaphore, #tpu.memory_space<semaphore_mem>>)
      } else {
      }
    }
    %scan3A_16 = arith.constant 16 : i32
    %add3A_17 = arith.constant 0 : i32
    %add3A_18 = arith.addi %multiple_of3A, %add3A_17 : i32
    %multiple_of3A_19 = tpu.assume_multiple %add3A_18, 8192 : i32
    %dma_wait3A = tpu.memref_slice %arg5[%multiple_of3A_19] : memref<8388608xf32, #tpu.memory_space<hbm>> -> memref<8192xf32, #tpu.memory_space<hbm>>
    %dma_wait3A_20 = tpu.memref_slice %arg5[%multiple_of3A_19] : memref<8388608xf32, #tpu.memory_space<hbm>> -> memref<8192xf32, #tpu.memory_space<hbm>>
    tpu.wait_dma2 semaphore(%arg19 : memref<!tpu.dma_semaphore, #tpu.memory_space<semaphore_mem>>) src(%arg15 : memref<8192xf32, #tpu.memory_space<vmem>>) dst(%dma_wait3A_20 : memref<8192xf32, #tpu.memory_space<hbm>>)
    %add3A_21 = arith.constant 0 : i32
    %add3A_22 = arith.addi %multiple_of3A, %add3A_21 : i32
    %multiple_of3A_23 = tpu.assume_multiple %add3A_22, 8192 : i32
    %dma_wait3A_24 = tpu.memref_slice %arg5[%multiple_of3A_23] : memref<8388608xf32, #tpu.memory_space<hbm>> -> memref<8192xf32, #tpu.memory_space<hbm>>
    %dma_wait3A_25 = tpu.memref_slice %arg5[%multiple_of3A_23] : memref<8388608xf32, #tpu.memory_space<hbm>> -> memref<8192xf32, #tpu.memory_space<hbm>>
    tpu.wait_dma2 semaphore(%arg20 : memref<!tpu.dma_semaphore, #tpu.memory_space<semaphore_mem>>) src(%arg16 : memref<8192xf32, #tpu.memory_space<vmem>>) dst(%dma_wait3A_25 : memref<8192xf32, #tpu.memory_space<hbm>>)
    return
  }
}

module attributes {stable_mosaic.version = 14 : i64} {
  func.func @_prep_body(%arg0: memref<16x512xf32, #tpu.memory_space<vmem>>, %arg1: memref<16x512xf32, #tpu.memory_space<vmem>>, %arg2: memref<17x512xf32, #tpu.memory_space<vmem>>, %arg3: memref<16x512xf32, #tpu.memory_space<vmem>>, %arg4: memref<6x18x512xf32, #tpu.memory_space<vmem>>) attributes {dimension_semantics = [], scalar_prefetch = 0 : i64, scratch_operands = 0 : i64, tpu.core_type = #tpu.core_type<tc>} {
    %get3A = arith.constant 0 : index
    %get3A_0 = arith.constant 0 : index
    %get3A_1 = vector.load %arg0[%get3A, %get3A_0] : memref<16x512xf32, #tpu.memory_space<vmem>>, vector<16x512xf32>
    %get3A_2 = arith.constant 0 : index
    %get3A_3 = arith.constant 0 : index
    %get3A_4 = vector.load %arg1[%get3A_2, %get3A_3] : memref<16x512xf32, #tpu.memory_space<vmem>>, vector<16x512xf32>
    %get3A_5 = arith.constant 0 : index
    %get3A_6 = arith.constant 0 : index
    %get3A_7 = vector.load %arg2[%get3A_5, %get3A_6] : memref<17x512xf32, #tpu.memory_space<vmem>>, vector<17x512xf32>
    %reduce_max3A = arith.constant dense<0xFF800000> : vector<512xf32>
    %reduce_max3A_8 = vector.multi_reduction <maximumf>, %get3A_1, %reduce_max3A [0] : vector<16x512xf32> to vector<512xf32>
    %broadcast_in_dim3A = vector.shape_cast %reduce_max3A_8 : vector<512xf32> to vector<1x512xf32>
    %sub3A = vector.broadcast %broadcast_in_dim3A : vector<1x512xf32> to vector<16x512xf32>
    %sub3A_9 = arith.subf %get3A_1, %sub3A : vector<16x512xf32>
    %exp3A = math.exp %sub3A_9 : vector<16x512xf32>
    %reduce_sum3A = arith.constant dense<0.000000e+00> : vector<512xf32>
    %reduce_sum3A_10 = vector.multi_reduction <add>, %exp3A, %reduce_sum3A [0] : vector<16x512xf32> to vector<512xf32>
    %broadcast_in_dim3A_11 = vector.shape_cast %reduce_sum3A_10 : vector<512xf32> to vector<1x512xf32>
    %div3A = vector.broadcast %broadcast_in_dim3A_11 : vector<1x512xf32> to vector<16x512xf32>
    %div3A_12 = arith.divf %exp3A, %div3A : vector<16x512xf32>
    %mul3A = arith.constant 9.840000e-01 : f32
    %mul3A_13 = vector.broadcast %mul3A : f32 to vector<16x512xf32>
    %mul3A_14 = arith.mulf %mul3A_13, %div3A_12 : vector<16x512xf32>
    %add3A = arith.constant 1.000000e-03 : f32
    %add3A_15 = vector.broadcast %add3A : f32 to vector<16x512xf32>
    %add3A_16 = arith.addf %add3A_15, %mul3A_14 : vector<16x512xf32>
    %mul3A_17 = arith.constant 1.000000e+01 : f32
    %mul3A_18 = vector.broadcast %mul3A_17 : f32 to vector<16x512xf32>
    %mul3A_19 = arith.mulf %add3A_16, %mul3A_18 : vector<16x512xf32>
    %reduce_max3A_20 = arith.constant dense<0xFF800000> : vector<512xf32>
    %reduce_max3A_21 = vector.multi_reduction <maximumf>, %get3A_4, %reduce_max3A_20 [0] : vector<16x512xf32> to vector<512xf32>
    %broadcast_in_dim3A_22 = vector.shape_cast %reduce_max3A_21 : vector<512xf32> to vector<1x512xf32>
    %sub3A_23 = vector.broadcast %broadcast_in_dim3A_22 : vector<1x512xf32> to vector<16x512xf32>
    %sub3A_24 = arith.subf %get3A_4, %sub3A_23 : vector<16x512xf32>
    %exp3A_25 = math.exp %sub3A_24 : vector<16x512xf32>
    %reduce_sum3A_26 = arith.constant dense<0.000000e+00> : vector<512xf32>
    %reduce_sum3A_27 = vector.multi_reduction <add>, %exp3A_25, %reduce_sum3A_26 [0] : vector<16x512xf32> to vector<512xf32>
    %broadcast_in_dim3A_28 = vector.shape_cast %reduce_sum3A_27 : vector<512xf32> to vector<1x512xf32>
    %div3A_29 = vector.broadcast %broadcast_in_dim3A_28 : vector<1x512xf32> to vector<16x512xf32>
    %div3A_30 = arith.divf %exp3A_25, %div3A_29 : vector<16x512xf32>
    %mul3A_31 = arith.constant 9.840000e-01 : f32
    %mul3A_32 = vector.broadcast %mul3A_31 : f32 to vector<16x512xf32>
    %mul3A_33 = arith.mulf %mul3A_32, %div3A_30 : vector<16x512xf32>
    %add3A_34 = arith.constant 1.000000e-03 : f32
    %add3A_35 = vector.broadcast %add3A_34 : f32 to vector<16x512xf32>
    %add3A_36 = arith.addf %add3A_35, %mul3A_33 : vector<16x512xf32>
    %mul3A_37 = arith.constant 1.000000e+01 : f32
    %mul3A_38 = vector.broadcast %mul3A_37 : f32 to vector<16x512xf32>
    %mul3A_39 = arith.mulf %add3A_36, %mul3A_38 : vector<16x512xf32>
    %max3A = arith.constant 0.000000e+00 : f32
    %max3A_40 = vector.broadcast %max3A : f32 to vector<17x512xf32>
    %max3A_41 = arith.maximumf %get3A_7, %max3A_40 : vector<17x512xf32>
    %abs3A = math.absf %get3A_7 : vector<17x512xf32>
    %neg3A = arith.constant 0.000000e+00 : f32
    %neg3A_42 = vector.broadcast %neg3A : f32 to vector<17x512xf32>
    %neg3A_43 = arith.subf %neg3A_42, %abs3A : vector<17x512xf32>
    %exp3A_44 = math.exp %neg3A_43 : vector<17x512xf32>
    %add3A_45 = arith.constant 1.000000e+00 : f32
    %add3A_46 = vector.broadcast %add3A_45 : f32 to vector<17x512xf32>
    %add3A_47 = arith.addf %add3A_46, %exp3A_44 : vector<17x512xf32>
    %log3A = math.log %add3A_47 : vector<17x512xf32>
    %add3A_48 = arith.addf %max3A_41, %log3A : vector<17x512xf32>
    %add3A_49 = arith.constant 1.000000e-03 : f32
    %add3A_50 = vector.broadcast %add3A_49 : f32 to vector<17x512xf32>
    %add3A_51 = arith.addf %add3A_48, %add3A_50 : vector<17x512xf32>
    %iota3A = tpu.iota {dimensions = array<i32: 0>} : vector<16x16xi32>
    %iota3A_52 = tpu.iota {dimensions = array<i32: 1>} : vector<16x16xi32>
    %le3A = arith.cmpi sle, %iota3A_52, %iota3A : vector<16x16xi32>
    %convert_element_type3A = arith.extui %le3A : vector<16x16xi1> to vector<16x16xi32>
    %convert_element_type3A_53 = arith.sitofp %convert_element_type3A : vector<16x16xi32> to vector<16x16xf32>
    %dot_general3A = arith.constant dense<0.000000e+00> : vector<16x512xf32>
    %dot_general3A_54 = tpu.matmul %convert_element_type3A_53, %mul3A_19, %dot_general3A {dimension_numbers = #tpu.dot_dimension_numbers<[1], [0], [0], [1], [0, 0, 1, 1], [], []>, precision = #tpu.contract_precision<fp32>, transpose_lhs_hint = false} : vector<16x16xf32>, vector<16x512xf32>, vector<16x512xf32> -> vector<16x512xf32>
    %dot_general3A_55 = arith.constant dense<0.000000e+00> : vector<16x512xf32>
    %dot_general3A_56 = tpu.matmul %convert_element_type3A_53, %mul3A_39, %dot_general3A_55 {dimension_numbers = #tpu.dot_dimension_numbers<[1], [0], [0], [1], [0, 0, 1, 1], [], []>, precision = #tpu.contract_precision<fp32>, transpose_lhs_hint = false} : vector<16x16xf32>, vector<16x512xf32>, vector<16x512xf32> -> vector<16x512xf32>
    %broadcast_in_dim3A_57 = arith.constant -5.000000e+00 : f32
    %broadcast_in_dim3A_58 = vector.broadcast %broadcast_in_dim3A_57 : f32 to vector<1x512xf32>
    %add3A_59 = arith.constant -5.000000e+00 : f32
    %add3A_60 = vector.broadcast %add3A_59 : f32 to vector<16x512xf32>
    %add3A_61 = arith.addf %add3A_60, %dot_general3A_54 : vector<16x512xf32>
    %concatenate3A = tpu.concatenate %broadcast_in_dim3A_58, %add3A_61 in 0 : vector<1x512xf32>, vector<16x512xf32> -> vector<17x512xf32>
    %add3A_62 = arith.constant -5.000000e+00 : f32
    %add3A_63 = vector.broadcast %add3A_62 : f32 to vector<16x512xf32>
    %add3A_64 = arith.addf %add3A_63, %dot_general3A_56 : vector<16x512xf32>
    %concatenate3A_65 = tpu.concatenate %broadcast_in_dim3A_58, %add3A_64 in 0 : vector<1x512xf32>, vector<16x512xf32> -> vector<17x512xf32>
    %slice3A = vector.extract_strided_slice %concatenate3A {offsets = [1, 0], sizes = [15, 512], strides = [1, 1]} : vector<17x512xf32> to vector<15x512xf32>
    %broadcast_in_dim3A_66 = arith.constant 1.000000e+30 : f32
    %broadcast_in_dim3A_67 = vector.broadcast %broadcast_in_dim3A_66 : f32 to vector<1x512xf32>
    %concatenate3A_68 = tpu.concatenate %slice3A, %broadcast_in_dim3A_67 in 0 : vector<15x512xf32>, vector<1x512xf32> -> vector<16x512xf32>
    %swap3A = arith.constant 0 : index
    %swap3A_69 = arith.constant 0 : index
    %swap3A_70 = vector.load %arg3[%swap3A, %swap3A_69] : memref<16x512xf32, #tpu.memory_space<vmem>>, vector<16x512xf32>
    tpu.vector_store %arg3[%swap3A, %swap3A_69], %concatenate3A_68 {strides = array<i32>} : memref<16x512xf32, #tpu.memory_space<vmem>>, vector<16x512xf32>,
    %div3A_71 = arith.divf %mul3A_39, %mul3A_19 : vector<16x512xf32>
    %slice3A_72 = vector.extract_strided_slice %add3A_51 {offsets = [0, 0], sizes = [16, 512], strides = [1, 1]} : vector<17x512xf32> to vector<16x512xf32>
    %slice3A_73 = vector.extract_strided_slice %add3A_51 {offsets = [1, 0], sizes = [16, 512], strides = [1, 1]} : vector<17x512xf32> to vector<16x512xf32>
    %sub3A_74 = arith.subf %div3A_71, %slice3A_72 : vector<16x512xf32>
    %mul3A_75 = arith.mulf %mul3A_39, %sub3A_74 : vector<16x512xf32>
    %div3A_76 = arith.divf %mul3A_75, %div3A_71 : vector<16x512xf32>
    %mul3A_77 = arith.mulf %mul3A_39, %slice3A_72 : vector<16x512xf32>
    %div3A_78 = arith.divf %mul3A_77, %div3A_71 : vector<16x512xf32>
    %add3A_79 = arith.addf %slice3A_72, %slice3A_73 : vector<16x512xf32>
    %mul3A_80 = arith.constant 2.000000e+00 : f32
    %mul3A_81 = vector.broadcast %mul3A_80 : f32 to vector<16x512xf32>
    %mul3A_82 = arith.mulf %mul3A_81, %div3A_71 : vector<16x512xf32>
    %sub3A_83 = arith.subf %add3A_79, %mul3A_82 : vector<16x512xf32>
    %div3A_84 = arith.divf %sub3A_83, %div3A_71 : vector<16x512xf32>
    %broadcast_in_dim3A_85 = arith.constant 1.000000e+00 : f32
    %broadcast_in_dim3A_86 = vector.broadcast %broadcast_in_dim3A_85 : f32 to vector<1x512xf32>
    %broadcast_in_dim3A_87 = arith.constant 0.000000e+00 : f32
    %broadcast_in_dim3A_88 = vector.broadcast %broadcast_in_dim3A_87 : f32 to vector<1x512xf32>
    %slice3A_89 = vector.extract_strided_slice %concatenate3A {offsets = [0, 0], sizes = [1, 512], strides = [1, 1]} : vector<17x512xf32> to vector<1x512xf32>
    %slice3A_90 = vector.extract_strided_slice %concatenate3A {offsets = [0, 0], sizes = [16, 512], strides = [1, 1]} : vector<17x512xf32> to vector<16x512xf32>
    %slice3A_91 = vector.extract_strided_slice %concatenate3A {offsets = [16, 0], sizes = [1, 512], strides = [1, 1]} : vector<17x512xf32> to vector<1x512xf32>
    %concatenate3A_92 = tpu.concatenate %slice3A_89, %slice3A_90, %slice3A_91 in 0 : vector<1x512xf32>, vector<16x512xf32>, vector<1x512xf32> -> vector<18x512xf32>
    %div3A_93 = arith.constant 1.000000e+00 : f32
    %div3A_94 = vector.broadcast %div3A_93 : f32 to vector<16x512xf32>
    %div3A_95 = arith.divf %div3A_94, %mul3A_19 : vector<16x512xf32>
    %concatenate3A_96 = tpu.concatenate %broadcast_in_dim3A_86, %div3A_95, %broadcast_in_dim3A_86 in 0 : vector<1x512xf32>, vector<16x512xf32>, vector<1x512xf32> -> vector<18x512xf32>
    %concatenate3A_97 = tpu.concatenate %broadcast_in_dim3A_88, %div3A_76, %broadcast_in_dim3A_88 in 0 : vector<1x512xf32>, vector<16x512xf32>, vector<1x512xf32> -> vector<18x512xf32>
    %slice3A_98 = vector.extract_strided_slice %add3A_51 {offsets = [0, 0], sizes = [1, 512], strides = [1, 1]} : vector<17x512xf32> to vector<1x512xf32>
    %slice3A_99 = vector.extract_strided_slice %add3A_51 {offsets = [16, 0], sizes = [1, 512], strides = [1, 1]} : vector<17x512xf32> to vector<1x512xf32>
    %concatenate3A_100 = tpu.concatenate %slice3A_98, %div3A_78, %slice3A_99 in 0 : vector<1x512xf32>, vector<16x512xf32>, vector<1x512xf32> -> vector<18x512xf32>
    %concatenate3A_101 = tpu.concatenate %broadcast_in_dim3A_88, %div3A_84, %broadcast_in_dim3A_88 in 0 : vector<1x512xf32>, vector<16x512xf32>, vector<1x512xf32> -> vector<18x512xf32>
    %slice3A_102 = vector.extract_strided_slice %concatenate3A_65 {offsets = [0, 0], sizes = [1, 512], strides = [1, 1]} : vector<17x512xf32> to vector<1x512xf32>
    %slice3A_103 = vector.extract_strided_slice %concatenate3A_65 {offsets = [0, 0], sizes = [16, 512], strides = [1, 1]} : vector<17x512xf32> to vector<16x512xf32>
    %slice3A_104 = vector.extract_strided_slice %concatenate3A_65 {offsets = [16, 0], sizes = [1, 512], strides = [1, 1]} : vector<17x512xf32> to vector<1x512xf32>
    %concatenate3A_105 = tpu.concatenate %slice3A_102, %slice3A_103, %slice3A_104 in 0 : vector<1x512xf32>, vector<16x512xf32>, vector<1x512xf32> -> vector<18x512xf32>
    %stack3A = vector.shape_cast %concatenate3A_92 : vector<18x512xf32> to vector<1x18x512xf32>
    %stack3A_106 = vector.shape_cast %concatenate3A_96 : vector<18x512xf32> to vector<1x18x512xf32>
    %stack3A_107 = vector.shape_cast %concatenate3A_97 : vector<18x512xf32> to vector<1x18x512xf32>
    %stack3A_108 = vector.shape_cast %concatenate3A_100 : vector<18x512xf32> to vector<1x18x512xf32>
    %stack3A_109 = vector.shape_cast %concatenate3A_101 : vector<18x512xf32> to vector<1x18x512xf32>
    %stack3A_110 = vector.shape_cast %concatenate3A_105 : vector<18x512xf32> to vector<1x18x512xf32>
    %stack3A_111 = tpu.concatenate %stack3A, %stack3A_106, %stack3A_107, %stack3A_108, %stack3A_109, %stack3A_110 in 0 : vector<1x18x512xf32>, vector<1x18x512xf32>, vector<1x18x512xf32>, vector<1x18x512xf32>, vector<1x18x512xf32>, vector<1x18x512xf32> -> vector<6x18x512xf32>
    %swap3A_112 = arith.constant 0 : index
    %swap3A_113 = arith.constant 0 : index
    %swap3A_114 = arith.constant 0 : index
    %swap3A_115 = vector.load %arg4[%swap3A_112, %swap3A_113, %swap3A_114] : memref<6x18x512xf32, #tpu.memory_space<vmem>>, vector<6x18x512xf32>
    tpu.vector_store %arg4[%swap3A_112, %swap3A_113, %swap3A_114], %stack3A_111 {strides = array<i32>} : memref<6x18x512xf32, #tpu.memory_space<vmem>>, vector<6x18x512xf32>,
    return
  }
}

</mosaic_0001>

<sc_bundles>
// kernel: kernel.4.cloned.1.call-start
scs
__scs_entry_jumppad:
0x0: {  	(pc) =	sbr.rel $0x88, $3  }
0x1: {  	(tag) =	ssettag $0x0;
	lr =	simm.s32 $0x1  }
0x2: {  	[smem:$0x3F9D] =	sst lr;
	_ =	strace $0xD0000000  }
0x3: {  	_ = 	snop  }
0x4: {  	_ = 	snop  }
0x5: {  	_ = 	snop  }
0x6: {  	_ = 	snop  }
0x7: {  	_ = 	snop  }
__scs_overlays_trampoline_lowered:
0x8: {  	[smem:$0x3FAC] =	sst s0  }
0x9: {  	[smem:$0x3FAD] =	sst s1  }
0xa: {  	[smem:$0x3FAE] =	sst s2  }
0xb: {  	[smem:$0x3FAF] =	sst s3  }
0xc: {  	[smem:$0x3FB0] =	sst s4  }
0xd: {  	[smem:$0x3FB1] =	sst s5  }
0xe: {  	[smem:$0x3FB2] =	sst s6  }
0xf: {  	[smem:$0x3FB3] =	sst s7  }
0x10: {  	[smem:$0x3FB4] =	sst s8  }
0x11: {  	[smem:$0x3FB5] =	sst s9;
	s0 =	simm.s32 @!p0 $0x0  }
0x12: {  	s1 =	sld [smem:$0x3F9B];
	s0 =	simm.s32 @p0 $0x1  }
0x13: {  	[smem:$0x3FB6] =	sst s0;
	s0 =	simm.s32 @!p1 $0x0  }
0x14: {  	s2 =	sld [smem:$0x3F9A];
	s0 =	simm.s32 @p1 $0x1  }
0x15: {  	[smem:$0x3FB7] =	sst s0;
	s0 =	simm.s32 @!p2 $0x0  }
0x16: {  	s3 =	sld [smem:$0x3FDB];
	s0 =	simm.s32 @p2 $0x1  }
0x17: {  	s4 =	simm.s32 $0x1BF5;
	[smem:$0x3FB9] =	sst s0  }
0x18: {  	s0 =	sld [smem:$0x3F9C];
	_ =	swait.ge [sflag:s4], $0x0  }
0x19: {  	s7 =	sld [smem:$0x3F9D]  }
0x1a: {  	s8 =	sadd.s32 $0xFFFFE003, lr  }
0x1b: {  	s9 =	sadd.s32 $0xFFFFFEF7, lr;
	s5 =	simm.s32 $0xFFFFFFFF;
	p2 =	slt.u32 s8, $0xFFFFF086  }
0x1c: {  	p1 =	slt.u32 s9, $0xF7A;
	s5 =	simm.s32 @!p2 $0x0  }
0x1d: {  	s5 =	simm.s32 @p1 $0x1;
	p0 =	seq.s32 s7, s2  }
0x1e: {  	s7 =	smul.u32 @!p0 $0xF7A, s2;
	p2 =	seq.s32 @!p0 s5, $0x0  }
0x1f: {  	s9 =	smul.u32 $0xF7A, s1;
	s8 =	simm.s32 @!p0 $0x1BF5;
	p2 =	por !p2, p0  }
0x20: {  	[sflag:s8] =	ssyncset.s32 @!p0 $0xFFFFF086;
	s6 =	sadd.s32 @!p0 s3, s7;
	s7 =	simm.s32 @!p0 $0x108  }
0x21: {  	s3 =	sadd.s32 s3, s9;
	s6 =	sadd.s32 @!p0 $0x88, s6;
	s7 =	simm.s32 @p2 $0x1082  }
0x22: {  	[simem:s7], [sflag:s8] =	dma.local @!p0 [hbm:s6], $0xF7A  }
0x23: {  	s9 =	sor.u32 $0xD0000000, s2;
	s6 =	simm.s32 $0x108;
	_ =	swait.ge @!p0 [sflag:s8], $0x0  }
0x24: {  	s3 =	sadd.s32 $0x88, s3;
	s6 =	simm.s32 @!p1 $0x1082;
	[sflag:s4] =	ssyncset.s32 $0xFFFFF086  }
0x25: {  	[simem:s6], [sflag:s4] =	dma.local [hbm:s3], $0xF7A  }
0x26: {  	[smem:$0x3F9D] =	sst s1;
	(tag) =	ssettag s2;
	_ =	strace s9  }
0x27: {  	s1 =	sld [smem:$0x3FAD]  }
0x28: {  	s2 =	sld [smem:$0x3FAE]  }
0x29: {  	s4 =	sld [smem:$0x3FB0]  }
0x2a: {  	p0 =	seq.s32 s5, $0x0;
	s5 =	sld [smem:$0x3FB1]  }
0x2b: {  	s6 =	sld [smem:$0x3FB2]  }
0x2c: {  	s7 =	sld [smem:$0x3FB3]  }
0x2d: {  	s3 =	simm.s32 $0x108;
	s8 =	sld [smem:$0x3FB4]  }
0x2e: {  	s3 =	simm.s32 @!p0 $0x1082;
	s9 =	sld [smem:$0x3FB5]  }
0x2f: {  	lr =	sadd.s32 s0, s3;
	s0 =	sld [smem:$0x3FAC]  }
0x30: {  	s3 =	sld [smem:$0x3FAF]  }
0x31: {  	[smem:$0x3FB8] =	sst s10  }
0x32: {  	s10 =	sld [smem:$0x3FB6];
	_ =	sdelay $0x3  }
0x33: {  	p0 =	seq.s32 s10, $0x1;
	s10 =	sld [smem:$0x3FB8];
	_ =	sdelay $0x3  }
0x34: {  	[smem:$0x3FB8] =	sst s10  }
0x35: {  	s10 =	sld [smem:$0x3FB7];
	_ =	sdelay $0x3  }
0x36: {  	p1 =	seq.s32 s10, $0x1;
	s10 =	sld [smem:$0x3FB8];
	_ =	sdelay $0x3  }
0x37: {  	[smem:$0x3FB8] =	sst s10  }
0x38: {  	s10 =	sld [smem:$0x3FB9]  }
0x39: {  	_ = 	snop;
	(pc) =	sbr.ind lr, $3  }
0x3a: {  	_ = 	snop  }
0x3b: {  	_ = 	snop  }
0x3c: {  	p2 =	seq.s32 s10, $0x1;
	s10 =	sld [smem:$0x3FB8]  }
0x3d: {  	_ =	shalt  }
0x3e: {  	_ =	shalt  }
0x3f: {  	_ =	shalt  }
0x40: {  	_ =	shalt  }
0x41: {  	_ =	shalt  }
0x42: {  	_ =	shalt  }
0x43: {  	_ =	shalt  }
0x44: {  	_ =	shalt  }
0x45: {  	_ =	shalt  }
0x46: {  	_ =	shalt  }
0x47: {  	_ =	shalt  }
0x48: {  	_ =	shalt  }
0x49: {  	_ =	shalt  }
0x4a: {  	_ =	shalt  }
0x4b: {  	_ =	shalt  }
0x4c: {  	_ =	shalt  }
0x4d: {  	_ =	shalt  }
0x4e: {  	_ =	shalt  }
0x4f: {  	_ =	shalt  }
0x50: {  	_ =	shalt  }
0x51: {  	_ =	shalt  }
0x52: {  	_ =	shalt  }
0x53: {  	_ =	shalt  }
0x54: {  	_ =	shalt  }
0x55: {  	_ =	shalt  }
0x56: {  	_ =	shalt  }
0x57: {  	_ =	shalt  }
0x58: {  	_ =	shalt  }
0x59: {  	_ =	shalt  }
0x5a: {  	_ =	shalt  }
0x5b: {  	_ =	shalt  }
0x5c: {  	_ =	shalt  }
0x5d: {  	_ =	shalt  }
0x5e: {  	_ =	shalt  }
0x5f: {  	_ =	shalt  }
0x60: {  	_ =	shalt  }
0x61: {  	_ =	shalt  }
0x62: {  	_ =	shalt  }
0x63: {  	_ =	shalt  }
0x64: {  	_ =	shalt  }
0x65: {  	_ =	shalt  }
0x66: {  	_ =	shalt  }
0x67: {  	_ =	shalt  }
0x68: {  	_ =	shalt  }
0x69: {  	_ =	shalt  }
0x6a: {  	_ =	shalt  }
0x6b: {  	_ =	shalt  }
0x6c: {  	_ =	shalt  }
0x6d: {  	_ =	shalt  }
0x6e: {  	_ =	shalt  }
0x6f: {  	_ =	shalt  }
0x70: {  	_ =	shalt  }
0x71: {  	_ =	shalt  }
0x72: {  	_ =	shalt  }
0x73: {  	_ =	shalt  }
0x74: {  	_ =	shalt  }
0x75: {  	_ =	shalt  }
0x76: {  	_ =	shalt  }
0x77: {  	_ =	shalt  }
0x78: {  	_ =	shalt  }
0x79: {  	_ =	shalt  }
0x7a: {  	_ =	shalt  }
0x7b: {  	_ =	shalt  }
0x7c: {  	_ =	shalt  }
0x7d: {  	_ =	shalt  }
0x7e: {  	_ =	shalt  }
0x7f: {  	_ =	shalt  }
0x80: {  	_ =	shalt  }
0x81: {  	_ =	shalt  }
0x82: {  	_ =	shalt  }
0x83: {  	_ =	shalt  }
0x84: {  	_ =	shalt  }
0x85: {  	_ =	shalt  }
0x86: {  	_ =	shalt  }
0x87: {  	_ =	shalt  }
.Lfunc_end0:
.L_simem_size_0:
called_computation.1_lowered:
.L_overlay_start_0:
0x88: {  	s2 =	sld [smem:$0x3FD9]  }
0x89: {  	s3 =	sld [smem:$0x3FFE];
	_ =	sdelay $0x1  }
0x8a: {  	s1 =	srdreg.scid  }
0x8b: {  	s0 =	sand.u32 $0x1, s1  }
0x8c: {  	s17 =	sshll.u32 s0, $0xA;
	s2 =	sadd.s32 s3, s2  }
0x8d: {  	s2 =	sadd.s32 s2, s17  }
0x8e: {  	[smem:$0x3FC4] =	sst s2  }
0x8f: {  	_ = 	snop  }
0x90: {  	s2 =	sld [smem:$0x3FD0];
	(tm) =	ssettm $0x1  }
0x91: {  	s18 =	sld [smem:$0x3FFB];
	_ =	sdelay $0x3  }
0x92: {  	_ =	strace s18  }
0x93: {  	s3 =	sld [smem:$0x3FFC];
	_ =	sdelay $0x3  }
0x94: {  	_ =	strace s3  }
0x95: {  	s3 =	sld [smem:$0x3FFD];
	_ =	sdelay $0x3  }
0x96: {  	_ =	strace s3  }
0x97: {  	_ =	strace $0x8FFFFFFF  }
0x98: {  	s19 =	sld [smem:$0x3FDB];
	_ =	sdelay $0x1  }
0x99: {  	s4 =	simm.s32 $_scs_section_size  }
0x9a: {  	s5 =	simm.s32 $_size__tile_overlayer_lowered;
	s6 =	simm.s32 $_tile_overlayer_lowered  }
0x9b: {  	s22 =	simm.s32 $0x1BFF;
	s21 =	sshll.u32 s6, $0x1;
	s3 =	sadd.s32 s4, s19  }
0x9c: {  	s7 =	simm.s32 $0x0;
	s20 =	sshll.u32 s5, $0x1;
	s5 =	sadd.s32 s21, s3  }
0x9d: {  	[timem:s7], [sflag:s22] =	dma.local [hbm:s5], s20  }
0x9e: {  	_ =	swait.ge [sflag:s22], s20  }
0x9f: {  	s4 =	ssub.s32 $0x0, s20;
	[sflag:s22] =	ssyncset.done $0x0  }
0xa0: {  	[sflag:s22] =	ssyncadd.s32 s4;
	_ =	sdelay $0x1  }
0xa1: {  	s23 =	simm.s32 $0x1B8B  }
0xa2: {  	_ =	swait.ge [sflag:s23], $0x1  }
0xa3: {  	[sflag:s23] =	ssyncset.done $0x0  }
0xa4: {  	s25 =	simm.s32 $0x1B8E;
	s24 =	sld [smem:$0x3FFE];
	[sflag:s23] =	ssyncadd.s32 $0xFFFFFFFF  }
0xa5: {  	s26 =	simm.s32 $execute0_lowered;
	[smem:$0x3FD2] =	sst s25  }
0xa6: {  	s5 =	sshll.u32 s26, $0x1;
	_ =	strace $0x80000049;
	[dreg:$0x1] =	wrdreg $0xFFFFFFFF  }
0xa7: {  	s28 =	simm.s32 $_size_execute0_lowered;
	s3 =	sadd.s32 s3, s5;
	[dreg:$0x0] =	wrdreg $0x0  }
0xa8: {  	s5 =	sshll.u32 s28, $0x1;
	[dreg:$0x2] =	wrdreg s3  }
0xa9: {  	[dreg:$0x3] =	wrdreg s5  }
0xaa: {  	[dreg:$0x4] =	wrdreg $0xC0  }
0xab: {  	_ =	task [dreg:s7], $0x5FFFF  }
0xac: {  	[dreg:$0x1] =	wrdreg $0xFFFFFFFF  }
0xad: {  	[dreg:$0x0] =	wrdreg $0x60  }
0xae: {  	[dreg:$0x2] =	wrdreg s2  }
0xaf: {  	[dreg:$0x3] =	wrdreg s24  }
0xb0: {  	[dreg:$0x4] =	wrdreg $0x9  }
0xb1: {  	_ =	task.clear_ibuf [dreg:s7], $0x5FFFF;
	_ =	strace $0x90000049  }
0xb2: {  	s29 =	simm.s32 $0x9;
	_ =	strace $0x8000004B  }
0xb3: {  	_ =	swait.ge [sflag:s29], $0x1  }
0xb4: {  	[sflag:s29] =	ssyncadd.s32 $0xFFFFFFFF  }
0xb5: {  	_ =	strace $0x9000004B  }
0xb6: {  	_ =	sfence  }
0xb7: {  	s30 =	sld [smem:$0x0];
	_ =	sdelay $0x2  }
0xb8: {  	s31 =	sshll.u32 s1, $0xD;
	s1 =	sshrl.u32 s1, $0x2  }
0xb9: {  	s3 =	sand.u32 $0x4000, s31;
	s1 =	sadd.s32 s1, s30  }
0xba: {  	s0 =	sor.u32 s3, s0;
	s1 =	sshll.u32 s1, $0x11  }
0xbb: {  	s0 =	sor.u32 s1, s0  }
0xbc: {  	s0 =	sadd.s32 $0x8F2B, s0  }
0xbd: {  	[sflag:s0] =	ssyncadd.remote.s32 $0x1  }
0xbe: {  	_ =	sfence.sel $0xFFFF  }
0xbf: {  	[dreg:$0x0] =	wrdreg $0xFFFFFFFF;
	(pc) =	sbr.abs _section_cstart, $3  }
0xc0: {  	[dreg:$0x1] =	wrdreg $0xFFFFFFFF  }
0xc1: {  	_ =	task.clear_ibuf [dreg:s7], $0x2FFFF;
	_ =	strace $0x9FFFFFFF  }
0xc2: {  	(tm) =	ssettm $0x7FFFFFFF  }
0xc3: {  	_ =	shalt  }
tec
execute0_lowered:
.L_overlay_start_1:
0x0: {  	(tag) =	ssettag $0x1  }
0x1: {  	s1 =	rddreg [dreg:$0x0]  }
0x2: {  	s0 =	rddreg [dreg:$0x1];
	s2 =	simm.s32 $0x0;
	s3 =	srdreg.scid  }
0x3: {  	s6 =	stileid.u32;
	s28 =	simm.s32 $0x1;
	s29 =	simm.s32 $0x13800  }
0x4: {  	s30 =	simm.s32 $0x2;
	[smem:$0x7FF] =	sst s2;
	s4 =	sadd.s32 $0x1000, s0  }
0x5: {  	s18 =	sadd.s32 $0x1400, s0;
	_ =	strace $0x8000004A;
	[dreg:$0x3] =	wrdreg s4  }
0x6: {  	s31 =	simm.s32 $0x4;
	s20 =	sadd.s32 $0x1880, s0;
	[dreg:$0x4] =	wrdreg s18  }
0x7: {  	s3 =	sand.u32 $0x1, s3;
	s21 =	sadd.s32 $0x1D00, s0;
	[dreg:$0x5] =	wrdreg s20  }
0x8: {  	s7 =	sshll.u32 s6, $0x13;
	s23 =	sadd.s32 $0x2180, s0;
	[dreg:$0x6] =	wrdreg s21  }
0x9: {  	s6 =	sadd.s32 $0x3000, s0;
	s24 =	sadd.s32 $0x2600, s0;
	[dreg:$0x7] =	wrdreg s23  }
0xa: {  	s0 =	sadd.s32 $0x2A80, s0;
	s19 =	ssub.s32 $0x2, s3;
	[dreg:$0x8] =	wrdreg s24  }
0xb: {  	s3 =	sshll.u32 s3, $0x12;
	[dreg:$0xa] =	wrdreg s0;
	s20 =	simm.s32 $0x4400  }
0xc: {  	s21 =	simm.s32 $0x6800;
	s23 =	simm.s32 $0xB000;
	s24 =	simm.s32 $0xD400  }
0xd: {  	s0 =	simm.s32 $0x15800;
	s5 =	sshrl.u32 s19, $0x1;
	s7 =	sor.u32 s3, s7  }
.Ltmp0:
0xe: {  	s4 =	ssub.s32 s19, s5;
	s22 =	sshrl.u32 s7, $0x3;
	(pc) =	sbr.rel .LBB2_1-.Ltmp0, $4  }
0xf: {  	s15 =	sor.u32 $0x4000, s7;
	s16 =	sor.u32 $0x6000, s7;
	s3 =	sadd.s32 s1, s22  }
0x10: {  	s19 =	simm.s32 $0x2000;
	s26 =	smax.u32 s4, $0x1;
	[dreg:$0x9] =	wrdreg s3  }
0x11: {  	v0 =	vlaneseq.u32;
	v3 =	vimm.s32 $0x200;
	s22 =	simm.s32 $0x8C00;
	s25 =	sadd.s32 $0x400, s3;
	[dreg:$0xc] =	wrdreg s26  }
0x12: {  	v4 =	vimm.s32 $0x0;
	v1 =	vor.u32 $0xE00, v0;
	v2 =	vor.u32 $0x1000, v0;
	s4 =	simm.s32 $0x0;
	s26 =	simm.s32 $0x11800;
	[dreg:$0xb] =	wrdreg s25  }
.LBB2_12:
0x13: {  	s3 =	simm.s32 $0x3  }
0x14: {  	_ =	swait.ge [sflag:s3], $0x2000  }
0x15: {  	[sflag:s3] =	ssyncset.done $0x0  }
0x16: {  	[sflag:s3] =	ssyncadd.s32 $0xFFFFE000  }
0x17: {  	_ =	swait.ge [sflag:s31], $0x2000  }
0x18: {  	s4 =	rddreg [dreg:$0xd]  }
0x19: {  	s25 =	rddreg [dreg:$0xc];
	s4 =	sadd.s32 $0x1, s4  }
0x1a: {  	p0 =	sne.s32 s4, s25  }
.Ltmp1:
0x1b: {  	_ = 	snop;
	(pc) =	sbr.rel @!p0 .LBB2_13-.Ltmp1, $3  }
0x1c: {  	_ =	sdelay $0x1  }
0x1d: {  	[sflag:s31] =	ssyncset.done $0x0  }
0x1e: {  	[sflag:s31] =	ssyncadd.s32 $0xFFFFE000  }
.LBB2_1:
0x1f: {  	[dreg:$0xd] =	wrdreg s4  }
0x20: {  	s3 =	rddreg [dreg:$0x3];
	s8 =	simm.s32 $0x5  }
0x21: {  	[tilespmem:s2], [sflag:$0x5] =	stream.linear.gather [hbm4b:s3+s2], $0x2000, $0x38;
	[tilespmem:$0x17800] =	vst v63  }
0x22: {  	_ =	swait.ge [sflag:s8], $0x2000  }
0x23: {  	[sflag:s8] =	ssyncset.done $0x0  }
0x24: {  	s9 =	rddreg [dreg:$0x4];
	[sflag:s8] =	ssyncadd.s32 $0xFFFFE000  }
0x25: {  	[tilespmem:s19], [sflag:$0x5] =	stream.linear.gather [hbm4b:s9+s2], $0x2400, $0x38;
	[tilespmem:$0x17800] =	vst v63  }
0x26: {  	_ =	swait.ge [sflag:s8], $0x2400  }
0x27: {  	[sflag:s8] =	ssyncset.done $0x0  }
0x28: {  	s10 =	rddreg [dreg:$0x5];
	[sflag:s8] =	ssyncadd.s32 $0xFFFFDC00  }
0x29: {  	[tilespmem:s20], [sflag:$0x5] =	stream.linear.gather [hbm4b:s10+s2], $0x2400, $0x38;
	[tilespmem:$0x17800] =	vst v63  }
0x2a: {  	_ =	swait.ge [sflag:s8], $0x2400  }
0x2b: {  	[sflag:s8] =	ssyncset.done $0x0  }
0x2c: {  	s11 =	rddreg [dreg:$0x6];
	[sflag:s8] =	ssyncadd.s32 $0xFFFFDC00  }
0x2d: {  	[tilespmem:s21], [sflag:$0x5] =	stream.linear.gather [hbm4b:s11+s2], $0x2400, $0x38;
	[tilespmem:$0x17800] =	vst v63  }
0x2e: {  	_ =	swait.ge [sflag:s8], $0x2400  }
0x2f: {  	[sflag:s8] =	ssyncset.done $0x0  }
0x30: {  	s12 =	rddreg [dreg:$0x7];
	[sflag:s8] =	ssyncadd.s32 $0xFFFFDC00  }
0x31: {  	[tilespmem:s22], [sflag:$0x5] =	stream.linear.gather [hbm4b:s12+s2], $0x2400, $0x38;
	[tilespmem:$0x17800] =	vst v63  }
0x32: {  	_ =	swait.ge [sflag:s8], $0x2400  }
0x33: {  	[sflag:s8] =	ssyncset.done $0x0  }
0x34: {  	s13 =	rddreg [dreg:$0x8];
	[sflag:s8] =	ssyncadd.s32 $0xFFFFDC00  }
0x35: {  	[tilespmem:s23], [sflag:$0x5] =	stream.linear.gather [hbm4b:s13+s2], $0x2400, $0x38;
	[tilespmem:$0x17800] =	vst v63  }
0x36: {  	_ =	swait.ge [sflag:s8], $0x2400  }
0x37: {  	[sflag:s8] =	ssyncset.done $0x0  }
0x38: {  	s14 =	rddreg [dreg:$0xa];
	[sflag:s8] =	ssyncadd.s32 $0xFFFFDC00  }
0x39: {  	[tilespmem:s24], [sflag:$0x5] =	stream.linear.gather [hbm4b:s14+s2], $0x2400, $0x38;
	[tilespmem:$0x17800] =	vst v63  }
0x3a: {  	_ =	swait.ge [sflag:s8], $0x2400  }
0x3b: {  	[sflag:s8] =	ssyncset.done $0x0  }
0x3c: {  	s18 =	simm.s32 $0xF800;
	s17 =	rddreg [dreg:$0x9];
	[sflag:s8] =	ssyncadd.s32 $0xFFFFDC00  }
0x3d: {  	[tilespmem:s18], [sflag:$0x1] =	stream.linear.gather [hbm4b:s17+s2], $0x2000, $0x38;
	[tilespmem:$0x17800] =	vst v63  }
0x3e: {  	s5 =	simm.s32 $0x0;
	s25 =	rddreg [dreg:$0xb]  }
0x3f: {  	[tilespmem:s26], [sflag:$0x2] =	stream.linear.gather [hbm4b:s25+s2], $0x2000, $0x38;
	[tilespmem:$0x17800] =	vst v63  }
.LBB2_2:
0x40: {  	s3 =	simm.s32 $0x30;
	_ =	swait.ge [sflag:s28], $0x2000  }
0x41: {  	p0 =	seq.s32 s5, $0x0;
	s3 =	sand.u32 $0x1F0, s3;
	[sflag:s28] =	ssyncset.done $0x0  }
0x42: {  	s4 =	simm.s32 @!p0 $0x3;
	v5 =	vor.u32 s3, v1;
	[sflag:s28] =	ssyncadd.s32 $0xFFFFE000  }
0x43: {  	_ =	swait.ge @!p0 [sflag:s4], $0x2000  }
0x44: {  	[sflag:s4] =	ssyncset.done @!p0 $0x0  }
0x45: {  	s25 =	simm.s32 $0xF820;
	[sflag:s4] =	ssyncadd.s32 @!p0 $0xFFFFE000  }
0x46: {  	v9 =	vld [tilespmem:s25+$0x10]  }
0x47: {  	v5 =	vld.idx.msk [tilespmem:v5+s2+$0x0], $0xffff;
	_ =	sdelay $0x1  }
0x48: {  	s8 =	simm.s32 $0x10  }
0x49: {  	s8 =	sand.u32 $0x1D0, s8  }
0x4a: {  	v6 =	vor.u32 s8, v1  }
0x4b: {  	vm0 =	vge.f32 v9, v5  }
0x4c: {  	v5 =	vsel vm0, v2, v0  }
0x4d: {  	v7 =	vor.u32 s3, v5  }
0x4e: {  	v8 =	vor.u32 $0x600, v7  }
0x4f: {  	v6 =	vld.idx.msk [tilespmem:v6+s2+$0x0], $0xffff  }
0x50: {  	v5 =	vld [tilespmem:s25+$0xFFFFFFF0]  }
0x51: {  	s9 =	simm.s32 $0x20  }
0x52: {  	s10 =	simm.s32 $0x0;
	s9 =	sand.u32 $0x1E0, s9  }
0x53: {  	v11 =	vor.u32 s9, v1;
	s3 =	sand.u32 $0x1C0, s10;
	v8 =	vld.idx.msk [tilespmem:v8+s2+$0x0], $0xffff  }
0x54: {  	v10 =	vor.u32 s3, v1  }
0x55: {  	vm6 =	vge.f32 v5, v6  }
0x56: {  	v6 =	vsel vm6, v2, v0  }
0x57: {  	v12 =	vor.u32 s8, v6  }
0x58: {  	v11 =	vld.idx.msk [tilespmem:v11+s2+$0x0], $0xffff;
	v13 =	vor.u32 $0x600, v12;
	vm7 =	vge.f32 v9, v8;
	v8 =	vor.u32 $0x800, v7  }
0x59: {  	v10 =	vld.idx.msk [tilespmem:v10+s2+$0x0], $0xffff;
	v8 =	vsel vm7, v8, v7  }
0x5a: {  	v6 =	vld [tilespmem:s25+$0xFFFFFFE0];
	v14 =	vor.u32 $0x200, v8  }
0x5b: {  	v7 =	vld [tilespmem:s25+$0x0];
	_ =	sdelay $0x1  }
0x5c: {  	v13 =	vld.idx.msk [tilespmem:v13+s2+$0x0], $0xffff;
	_ =	sdelay $0x1  }
0x5d: {  	vm8 =	vge.f32 v6, v10;
	v14 =	vld.idx.msk [tilespmem:v14+s2+$0x0], $0xffff  }
0x5e: {  	v10 =	vsel vm8, v2, v0;
	vm9 =	vge.f32 v7, v11  }
0x5f: {  	v16 =	vor.u32 $0x800, v12;
	v15 =	vor.u32 s3, v10;
	v11 =	vsel vm9, v2, v0  }
0x60: {  	v10 =	vor.u32 $0x600, v15;
	vm10 =	vge.f32 v5, v13;
	v11 =	vor.u32 s9, v11  }
0x61: {  	v16 =	vsel vm10, v16, v12;
	v13 =	vor.u32 $0x600, v11  }
0x62: {  	s11 =	simm.s32 $0x70;
	v12 =	vor.u32 $0x200, v16;
	vm11 =	vge.f32 v9, v14;
	v14 =	vor.u32 $0x400, v8  }
0x63: {  	s12 =	sand.u32 $0x1F0, s11;
	v14 =	vsel vm11, v14, v8  }
0x64: {  	s13 =	simm.s32 $0x50;
	v8 =	vor.u32 s12, v1  }
0x65: {  	s14 =	simm.s32 $0x60;
	s17 =	sand.u32 $0x1D0, s13;
	v10 =	vld.idx.msk [tilespmem:v10+s2+$0x0], $0xffff  }
0x66: {  	s18 =	sand.u32 $0x1E0, s14;
	v17 =	vor.u32 s17, v1;
	v13 =	vld.idx.msk [tilespmem:v13+s2+$0x0], $0xffff  }
0x67: {  	s10 =	simm.s32 $0x40;
	v18 =	vld.idx.msk [tilespmem:v12+s2+$0x0], $0xffff;
	v12 =	vor.u32 s18, v1  }
0x68: {  	s25 =	sand.u32 $0x1C0, s10;
	v19 =	vld.idx.msk [tilespmem:v14+s2+$0x0], $0xffff  }
0x69: {  	s11 =	simm.s32 $0xF860;
	vm5 =	vlt.f32 v9, $-5.000000000e+00;
	vm0 =	vlt.f32 v5, $-5.000000000e+00;
	v20 =	vor.u32 s25, v1;
	v21 =	vld.idx.msk [tilespmem:v8+s2+$0x0], $0xffff  }
0x6a: {  	vm12 =	vgt.f32 v9, $5.000000000e+00;
	vm15 =	vgt.f32 v5, $5.000000000e+00;
	v29 =	vsel vm0, $0x0, v3;
	v8 =	vld [tilespmem:s11+$0x10]  }
0x6b: {  	v22 =	vor.u32 $0x800, v11;
	vm3 =	vge.f32 v6, v10;
	vm4 =	vge.f32 v7, v13;
	v13 =	vld.idx.msk [tilespmem:v17+s2+$0x0], $0xffff  }
0x6c: {  	v10 =	vsel vm5, $0x0, v3;
	v17 =	vsel vm4, v22, v11;
	v22 =	vld.idx.msk [tilespmem:v12+s2+$0x0], $0xffff;
	v12 =	vsel vm12, $0x200, v4  }
0x6d: {  	v11 =	vadd.s32 $0x200, v14;
	v12 =	vadd.s32 v10, v12;
	v10 =	vld [tilespmem:s11+$0xFFFFFFE0];
	vm13 =	vge.f32 v9, v19  }
0x6e: {  	v23 =	vor.u32 $0x800, v15;
	v19 =	vld.idx.msk [tilespmem:v20+s2+$0x0], $0xffff;
	v20 =	vor.u32 $0x200, v17;
	v11 =	vsel vm13, v11, v14  }
0x6f: {  	v31 =	vsel vm15, $0x200, v4;
	v14 =	vsel vm3, v23, v15;
	v15 =	vadd.s32 v11, v12;
	v12 =	vld [tilespmem:s11+$0xFFFFFFF0]  }
0x70: {  	vm1 =	vlt.f32 v6, $-5.000000000e+00;
	vm14 =	vge.f32 v8, v21;
	v21 =	vor.u32 $0x200, v14;
	v11 =	vld [tilespmem:s11+$0x0]  }
0x71: {  	vm2 =	vgt.f32 v6, $5.000000000e+00;
	v24 =	vsel vm1, $0x0, v3;
	v23 =	vsel vm14, v2, v0  }
0x72: {  	v25 =	vsel vm2, $0x200, v4;
	v27 =	vor.u32 $0x400, v16;
	v23 =	vor.u32 s12, v23  }
0x73: {  	vm10 =	vge.f32 v5, v18;
	v26 =	vor.u32 $0x600, v23;
	v20 =	vld.idx.msk [tilespmem:v20+s2+$0x0], $0xffff;
	vm11 =	vge.f32 v10, v19  }
0x74: {  	v16 =	vsel vm10, v27, v16;
	v19 =	vsel vm11, v2, v0;
	v18 =	vld.idx.msk [tilespmem:v15+s19+$0x0], $0xffff;
	vm12 =	vge.f32 v12, v13  }
0x75: {  	v13 =	vld.idx.msk [tilespmem:v21+s2+$0x0], $0xffff;
	v19 =	vor.u32 s25, v19;
	vm13 =	vge.f32 v11, v22;
	v21 =	vsel vm12, v2, v0  }
0x76: {  	v22 =	vld.idx.msk [tilespmem:v15+s20+$0x0], $0xffff;
	v27 =	vor.u32 $0x600, v19;
	v28 =	vsel vm13, v2, v0;
	v21 =	vor.u32 s17, v21  }
0x77: {  	v24 =	vadd.s32 v24, v25;
	v28 =	vor.u32 s18, v28;
	v30 =	vor.u32 $0x600, v21  }
0x78: {  	vm8 =	vlt.f32 v7, $-5.000000000e+00;
	vm9 =	vgt.f32 v7, $5.000000000e+00;
	v26 =	vld.idx.msk [tilespmem:v26+s2+$0x0], $0xffff;
	v33 =	vor.u32 $0x600, v28  }
0x79: {  	v32 =	vsel vm8, $0x0, v3;
	v34 =	vor.u32 $0x400, v17;
	v25 =	vld.idx.msk [tilespmem:v15+s23+$0x0], $0xffff;
	v9 =	vsub.f32 v9, v18  }
0x7a: {  	v42 =	vor.u32 $0x400, v14;
	vm11 =	vlt.f32 v10, $-5.000000000e+00;
	vm14 =	vge.f32 v7, v20;
	v20 =	vld.idx.msk [tilespmem:v16+s2+$0x0], $0xffff  }
0x7b: {  	v17 =	vsel vm14, v34, v17;
	vm15 =	vge.f32 v6, v13;
	v22 =	vmul.f32 v22, v9;
	v9 =	vld.idx.msk [tilespmem:v27+s2+$0x0], $0xffff  }
0x7c: {  	v37 =	vor.u32 $0x800, v19;
	vm13 =	vgt.f32 v10, $5.000000000e+00;
	v13 =	vsel vm15, v42, v14;
	v14 =	vld.idx.msk [tilespmem:v30+s2+$0x0], $0xffff  }
0x7d: {  	v35 =	vor.u32 $0x800, v21;
	v36 =	vor.u32 $0x800, v28;
	vm4 =	vge.f32 v8, v26;
	v30 =	vld.idx.msk [tilespmem:v33+s2+$0x0], $0xffff  }
0x7e: {  	v26 =	vor.u32 $0x800, v23;
	v27 =	vadd.s32 v29, v31;
	v29 =	vsub.f32 $1.000000000e+00, v22  }
0x7f: {  	vm14 =	vlt.f32 v12, $-5.000000000e+00;
	v18 =	vsel vm9, $0x200, v4;
	v23 =	vsel vm4, v26, v23  }
0x80: {  	v44 =	vadd.s32 $0x200, v17;
	v31 =	vor.u32 $0x200, v23;
	v45 =	vld.idx.msk [tilespmem:v17+s2+$0x0], $0xffff;
	v29 =	vmul.f32 v29, v22  }
0x81: {  	v26 =	vadd.s32 $0x200, v16;
	vm5 =	vge.f32 v5, v20;
	vm7 =	vge.f32 v10, v9  }
0x82: {  	v20 =	vmul.f32 v29, v25;
	vm8 =	vge.f32 v11, v30;
	v30 =	vsel vm7, v37, v19  }
0x83: {  	v38 =	vld.idx.msk [tilespmem:v13+s2+$0x0], $0xffff;
	vm6 =	vge.f32 v12, v14;
	v14 =	vsel vm5, v26, v16;
	v16 =	vor.u32 $0x200, v30  }
0x84: {  	v18 =	vadd.s32 v32, v18;
	v29 =	vld.idx.msk [tilespmem:v15+s21+$0x0], $0xffff;
	v14 =	vadd.s32 v14, v27;
	v9 =	vadd.f32 $1.000000000e+00, v20  }
0x85: {  	v21 =	vsel vm6, v35, v21;
	v25 =	vsel vm8, v36, v28;
	v28 =	vld.idx.msk [tilespmem:v31+s2+$0x0], $0xffff;
	vm9 =	vge.f32 v7, v45  }
0x86: {  	v20 =	vor.u32 $0x200, v21;
	(erf) = vrcp.f32 v9;
	v9 =	vsel vm9, v44, v17;
	v17 =	vld.idx.msk [tilespmem:v15+s22+$0x0], $0xffff  }
0x87: {  	vm15 =	vgt.f32 v12, $5.000000000e+00;
	v43 =	vadd.s32 $0x200, v13;
	v19 =	vor.u32 $0x200, v25;
	v15 =	vld.idx.msk [tilespmem:v15+s24+$0x0], $0xffff  }
0x88: {  	vm8 =	vlt.f32 v11, $-5.000000000e+00;
	v50 =	vor.u32 $0x400, v30;
	vm10 =	vge.f32 v6, v38;
	v16 =	vld.idx.msk [tilespmem:v16+s2+$0x0], $0xffff  }
0x89: {  	v31 =	vsel vm8, $0x0, v3;
	v13 =	vsel vm10, v43, v13;
	v9 =	vadd.s32 v9, v18;
	v27 =	vld.idx.msk [tilespmem:v14+s19+$0x0], $0xffff  }
0x8a: {  	v13 =	vadd.s32 v13, v24;
	v18 =	vor.u32 $0x400, v23;
	vm12 =	vge.f32 v8, v28;
	v49 =	vld.idx.msk [tilespmem:v14+s20+$0x0], $0xffff  }
0x8b: {  	v35 =	vor.u32 $0x400, v21;
	vm9 =	vgt.f32 v11, $5.000000000e+00;
	v20 =	vld.idx.msk [tilespmem:v20+s2+$0x0], $0xffff;
	v23 =	vsel vm12, v18, v23  }
0x8c: {  	v36 =	vor.u32 $0x400, v25;
	v24 =	vmul.f32 v22, v29;
	v46 =	vsel vm9, $0x200, v4;
	v26 =	vld.idx.msk [tilespmem:v19+s2+$0x0], $0xffff  }
0x8d: {  	s12 =	simm.s32 $0xB0;
	v28 =	vsel vm15, $0x200, v4;
	v39 =	vld.idx.msk [tilespmem:v14+s23+$0x0], $0xffff;
	v18 =	vsel vm11, $0x0, v3;
	v19 =	vsel vm13, $0x200, v4  }
0x8e: {  	s13 =	sand.u32 $0x1F0, s12;
	vm12 =	vlt.f32 v8, $-5.000000000e+00;
	v17 =	vadd.f32 v17, v24;
	v24 =	vsel vm14, $0x0, v3;
	v29 =	vld.idx.msk [tilespmem:v9+s19+$0x0], $0xffff  }
0x8f: {  	v18 =	vadd.s32 v18, v19;
	v47 =	vld.idx.msk [tilespmem:v13+s19+$0x0], $0xffff;
	v19 =	vadd.s32 v24, v28;
	v28 =	vor.u32 s13, v1  }
0x90: {  	s14 =	simm.s32 $0x90;
	v52 =	vadd.s32 $0x200, v23;
	vm14 =	vgt.f32 v8, $5.000000000e+00;
	v17 =	vmul.f32 v17, v22;
	v48 =	vld.idx.msk [tilespmem:v23+s2+$0x0], $0xffff  }
0x91: {  	s3 =	sand.u32 $0x1D0, s14;
	s18 =	simm.s32 $0x80;
	v40 =	vsel vm14, $0x200, v4;
	vm10 =	vge.f32 v12, v20;
	v20 =	vld.idx.msk [tilespmem:v13+s20+$0x0], $0xffff;
	vm11 =	vge.f32 v11, v26;
	v22 =	vpop (erf)  }
0x92: {  	s9 =	sand.u32 $0x1C0, s18;
	v51 =	vld.idx.msk [tilespmem:v9+s20+$0x0], $0xffff;
	v17 =	vmul.f32 v22, v17;
	v22 =	vadd.s32 v31, v46;
	v31 =	vor.u32 s3, v1  }
0x93: {  	v44 =	vld.idx.msk [tilespmem:v9+s23+$0x0], $0xffff;
	vm13 =	vge.f32 v10, v16;
	v26 =	vor.u32 s9, v1;
	v25 =	vsel vm11, v36, v25  }
0x94: {  	s25 =	simm.s32 $0xF8A0;
	s17 =	simm.s32 $0xA0;
	v5 =	vsub.f32 v5, v27;
	v37 =	vadd.s32 $0x200, v25;
	v16 =	vld.idx.msk [tilespmem:v28+s2+$0x0], $0xffff;
	v6 =	vsub.f32 v6, v47  }
0x95: {  	s4 =	sand.u32 $0x1E0, s17;
	v28 =	vsel vm12, $0x0, v3;
	v7 =	vsub.f32 v7, v29;
	v24 =	vadd.f32 v17, v15;
	v15 =	vld [tilespmem:s25+$0x10]  }
0x96: {  	v17 =	vor.u32 s4, v1;
	vm15 =	vge.f32 v8, v48;
	v20 =	vmul.f32 v20, v6;
	v6 =	vld [tilespmem:s25+$0x0]  }
0x97: {  	v28 =	vadd.s32 v28, v40;
	v23 =	vsel vm15, v52, v23;
	v27 =	vld.idx.msk [tilespmem:v31+s2+$0x0], $0xffff;
	v31 =	vsel vm10, v35, v21  }
0x98: {  	v26 =	vld.idx.msk [tilespmem:v26+s2+$0x0], $0xffff;
	v34 =	vadd.s32 v23, v28;
	v28 =	vsel vm13, v50, v30;
	v23 =	vmul.f32 v49, v5  }
0x99: {  	v21 =	vmul.f32 v51, v7;
	v5 =	vld [tilespmem:s25+$0xFFFFFFE0];
	v54 =	vsub.f32 $1.000000000e+00, v20;
	v29 =	vadd.s32 $0x200, v31  }
0x9a: {  	v7 =	vld [tilespmem:s25+$0xFFFFFFF0];
	v30 =	vsub.f32 $1.000000000e+00, v23;
	vm8 =	vge.f32 v15, v16;
	v16 =	vadd.s32 $0x200, v28  }
0x9b: {  	v46 =	vld.idx.msk [tilespmem:v13+s23+$0x0], $0xffff;
	v32 =	vsub.f32 $1.000000000e+00, v21;
	v35 =	vmul.f32 v54, v20;
	v53 =	vsel vm8, v2, v0  }
0x9c: {  	v52 =	vld.idx.msk [tilespmem:v14+s21+$0x0], $0xffff;
	vm14 =	vlt.f32 v6, $-5.000000000e+00;
	vm15 =	vgt.f32 v6, $5.000000000e+00;
	v30 =	vmul.f32 v30, v23  }
0x9d: {  	v17 =	vld.idx.msk [tilespmem:v17+s2+$0x0], $0xffff;
	v33 =	vor.u32 s13, v53;
	v32 =	vmul.f32 v32, v21;
	v53 =	vsel vm14, $0x0, v3  }
0x9e: {  	v55 =	vld.idx.msk [tilespmem:v34+s19+$0x0], $0xffff;
	v56 =	vor.u32 $0x600, v33;
	vm9 =	vge.f32 v5, v26;
	vm0 =	vlt.f32 v5, $-5.000000000e+00  }
0x9f: {  	v57 =	vld.idx.msk [tilespmem:v31+s2+$0x0], $0xffff;
	vm10 =	vge.f32 v7, v27;
	vm1 =	vgt.f32 v5, $5.000000000e+00;
	v58 =	vsel vm9, v2, v0  }
0xa0: {  	v26 =	vld.idx.msk [tilespmem:v34+s20+$0x0], $0xffff;
	v30 =	vmul.f32 v30, v39;
	v41 =	vsel vm10, v2, v0;
	v39 =	vor.u32 s9, v58  }
0xa1: {  	v27 =	vld.idx.msk [tilespmem:v25+s2+$0x0], $0xffff;
	vm12 =	vlt.f32 v7, $-5.000000000e+00;
	v41 =	vor.u32 s3, v41;
	v42 =	vor.u32 $0x600, v39  }
0xa2: {  	vm13 =	vgt.f32 v7, $5.000000000e+00;
	vm11 =	vge.f32 v6, v17;
	v17 =	vld.idx.msk [tilespmem:v28+s2+$0x0], $0xffff;
	v45 =	vor.u32 $0x600, v41  }
0xa3: {  	v50 =	vld.idx.msk [tilespmem:v34+s23+$0x0], $0xffff;
	v61 =	vor.u32 $0x800, v33;
	v43 =	vsel vm11, v2, v0;
	v8 =	vsub.f32 v8, v55  }
0xa4: {  	v60 =	vsel vm1, $0x200, v4;
	v62 =	vsel vm12, $0x0, v3;
	v43 =	vor.u32 s4, v43;
	v38 =	vld.idx.msk [tilespmem:v56+s2+$0x0], $0xffff  }
0xa5: {  	v40 =	vld.idx.msk [tilespmem:v34+s22+$0x0], $0xffff;
	v63 =	vsel vm13, $0x200, v4;
	v59 =	vor.u32 $0x600, v43;
	v51 =	vmul.f32 v26, v8  }
0xa6: {  	v47 =	vor.u32 $0x800, v41;
	vm6 =	vge.f32 v12, v57;
	vm8 =	vge.f32 v11, v27;
	v8 =	vld.idx.msk [tilespmem:v42+s2+$0x0], $0xffff  }
0xa7: {  	v29 =	vsel vm6, v29, v31;
	vm7 =	vge.f32 v10, v17;
	v27 =	vld.idx.msk [tilespmem:v45+s2+$0x0], $0xffff;
	v17 =	vsub.f32 $1.000000000e+00, v51  }
0xa8: {  	v55 =	vld.idx.msk [tilespmem:v13+s21+$0x0], $0xffff;
	v31 =	vsel vm8, v37, v25;
	v26 =	vsel vm0, $0x0, v3;
	v28 =	vsel vm7, v16, v28  }
0xa9: {  	v57 =	vld.idx.msk [tilespmem:v14+s24+$0x0], $0xffff;
	v16 =	vadd.s32 v26, v60;
	vm10 =	vge.f32 v15, v38;
	v17 =	vmul.f32 v17, v51  }
0xaa: {  	v26 =	vadd.s32 v29, v19;
	v29 =	vadd.s32 v28, v18;
	v36 =	vld.idx.msk [tilespmem:v59+s2+$0x0], $0xffff;
	v33 =	vsel vm10, v61, v33  }
0xab: {  	v28 =	vadd.s32 v31, v22;
	v22 =	vld.idx.msk [tilespmem:v34+s24+$0x0], $0xffff;
	v54 =	vor.u32 $0x200, v33;
	v17 =	vmul.f32 v17, v50  }
0xac: {  	v49 =	vor.u32 $0x800, v39;
	v38 =	vld.idx.msk [tilespmem:v9+s21+$0x0], $0xffff;
	vm11 =	vge.f32 v5, v8;
	vm12 =	vge.f32 v7, v27  }
0xad: {  	v8 =	vld.idx.msk [tilespmem:v34+s21+$0x0], $0xffff;
	v37 =	vsel vm11, v49, v39;
	v39 =	vsel vm12, v47, v41;
	v25 =	vadd.f32 $1.000000000e+00, v17  }
0xae: {  	v48 =	vor.u32 $0x800, v43;
	v56 =	vsel vm15, $0x200, v4;
	v50 =	vld.idx.msk [tilespmem:v14+s22+$0x0], $0xffff;
	v60 =	vor.u32 $0x200, v39  }
0xaf: {  	v27 =	vld.idx.msk [tilespmem:v9+s22+$0x0], $0xffff;
	vm13 =	vge.f32 v6, v36;
	v36 =	vor.u32 $0x200, v37;
	(erf) = vrcp.f32 v25  }
0xb0: {  	vm6 =	vlt.f32 v15, $-5.000000000e+00;
	v19 =	vmul.f32 v32, v44;
	vm7 =	vgt.f32 v15, $5.000000000e+00;
	v41 =	vld.idx.msk [tilespmem:v54+s2+$0x0], $0xffff  }
0xb1: {  	s14 =	simm.s32 $0xC0;
	v18 =	vadd.f32 $1.000000000e+00, v30;
	v30 =	vmul.f32 v23, v52;
	v17 =	vadd.s32 v62, v63;
	v62 =	vld.idx.msk [tilespmem:v13+s22+$0x0], $0xffff  }
0xb2: {  	s25 =	sand.u32 $0x1C0, s14;
	v19 =	vadd.f32 $1.000000000e+00, v19;
	v43 =	vsel vm13, v48, v43;
	v14 =	vmul.f32 v51, v8;
	v8 =	vld.idx.msk [tilespmem:v13+s24+$0x0], $0xffff  }
0xb3: {  	v59 =	vor.u32 s25, v1;
	v31 =	vor.u32 $0x400, v33;
	v48 =	vor.u32 $0x200, v43;
	v44 =	vld.idx.msk [tilespmem:v60+s2+$0x0], $0xffff  }
0xb4: {  	s10 =	simm.s32 $0xF0;
	v61 =	vor.u32 $0x400, v39;
	v13 =	vmul.f32 v35, v46;
	(erf) = vrcp.f32 v18;
	v36 =	vld.idx.msk [tilespmem:v36+s2+$0x0], $0xffff  }
0xb5: {  	s11 =	sand.u32 $0x1F0, s10;
	v58 =	vld.idx.msk [tilespmem:v26+s20+$0x0], $0xffff;
	(erf) = vrcp.f32 v19;
	v14 =	vadd.f32 v40, v14;
	vm14 =	vge.f32 v15, v41  }
0xb6: {  	v19 =	vld.idx.msk [tilespmem:v28+s19+$0x0], $0xffff;
	v33 =	vsel vm14, v31, v33;
	v31 =	vmul.f32 v20, v55;
	v55 =	vor.u32 s11, v1  }
0xb7: {  	v25 =	vadd.s32 v53, v56;
	v46 =	vmul.f32 v21, v38;
	v18 =	vld.idx.msk [tilespmem:v26+s19+$0x0], $0xffff;
	v14 =	vmul.f32 v14, v51  }
0xb8: {  	v30 =	vadd.f32 v50, v30;
	v13 =	vadd.f32 $1.000000000e+00, v13;
	v52 =	vld.idx.msk [tilespmem:v48+s2+$0x0], $0xffff;
	vm15 =	vge.f32 v7, v44;
	v53 =	vpop (erf)  }
0xb9: {  	s10 =	simm.s32 $0xF8E0;
	vm5 =	vge.f32 v5, v36;
	v36 =	vsel vm15, v61, v39;
	v61 =	vld.idx.msk [tilespmem:v28+s20+$0x0], $0xffff;
	v14 =	vmul.f32 v53, v14  }
0xba: {  	s12 =	simm.s32 $0xD0;
	v27 =	vadd.f32 v27, v46;
	v56 =	vadd.f32 v62, v31;
	(erf) = vrcp.f32 v13;
	v13 =	vld [tilespmem:s10+$0x10]  }
0xbb: {  	s17 =	sand.u32 $0x1D0, s12;
	s13 =	simm.s32 $0xE0;
	v63 =	vor.u32 $0x400, v37;
	v11 =	vsub.f32 v11, v19;
	v60 =	vld.idx.msk [tilespmem:v55+s2+$0x0], $0xffff;
	v31 =	vadd.f32 v14, v22  }
0xbc: {  	s18 =	sand.u32 $0x1E0, s13;
	v14 =	vmul.f32 v27, v21;
	v21 =	vld.idx.msk [tilespmem:v33+s2+$0x0], $0xffff;
	v22 =	vmul.f32 v56, v20;
	v20 =	vor.u32 s17, v1  }
0xbd: {  	v49 =	vor.u32 $0x400, v43;
	v50 =	vld.idx.msk [tilespmem:v26+s23+$0x0], $0xffff;
	v23 =	vmul.f32 v30, v23;
	v27 =	vor.u32 s18, v1  }
0xbe: {  	v30 =	vld.idx.msk [tilespmem:v29+s19+$0x0], $0xffff;
	v48 =	vsel vm7, $0x200, v4;
	v12 =	vsub.f32 v12, v18;
	v19 =	vmul.f32 v61, v11  }
0xbf: {  	v62 =	vsel vm6, $0x0, v3;
	v37 =	vsel vm5, v63, v37;
	v63 =	vld.idx.msk [tilespmem:v29+s20+$0x0], $0xffff;
	vm4 =	vge.f32 v6, v52  }
0xc0: {  	v39 =	vadd.s32 $0x200, v36;
	v52 =	vld.idx.msk [tilespmem:v59+s2+$0x0], $0xffff;
	vm9 =	vge.f32 v13, v60;
	v38 =	vsub.f32 $1.000000000e+00, v19  }
0xc1: {  	vm8 =	vge.f32 v15, v21;
	v21 =	vadd.s32 $0x200, v33;
	v51 =	vld.idx.msk [tilespmem:v20+s2+$0x0], $0xffff;
	v20 =	vmul.f32 v58, v12  }
0xc2: {  	v27 =	vld.idx.msk [tilespmem:v27+s2+$0x0], $0xffff;
	v11 =	vsel vm9, v2, v0;
	v18 =	vsel vm8, v21, v33;
	v21 =	vadd.s32 v62, v48  }
0xc3: {  	v12 =	vpop (erf);
	v35 =	vor.u32 s11, v11;
	v11 =	vld [tilespmem:s10+$0xFFFFFFF0];
	v42 =	vadd.s32 v18, v21;
	v18 =	vsub.f32 v10, v30  }
0xc4: {  	v33 =	vsel vm4, v49, v43;
	v23 =	vmul.f32 v12, v23;
	v12 =	vld [tilespmem:s10+$0x0];
	v53 =	vsub.f32 $1.000000000e+00, v20  }
0xc5: {  	v38 =	vmul.f32 v38, v19;
	v30 =	vadd.s32 $0x200, v37;
	v10 =	vld [tilespmem:s10+$0xFFFFFFE0];
	v18 =	vmul.f32 v63, v18  }
0xc6: {  	v9 =	vld.idx.msk [tilespmem:v9+s24+$0x0], $0xffff;
	v54 =	vor.u32 $0x600, v35;
	v46 =	vadd.s32 $0x200, v33;
	v21 =	vpop (erf);
	v34 =	vmul.f32 v53, v20  }
0xc7: {  	v47 =	vadd.f32 v23, v57;
	v23 =	vld.idx.msk [tilespmem:v36+s2+$0x0], $0xffff;
	v55 =	vpop (erf);
	v21 =	vmul.f32 v21, v14;
	v56 =	vsub.f32 $1.000000000e+00, v18  }
0xc8: {  	v14 =	vmul.f32 v55, v22;
	v44 =	vmul.f32 v34, v50;
	vm11 =	vge.f32 v11, v51;
	v22 =	vld.idx.msk [tilespmem:v42+s19+$0x0], $0xffff  }
0xc9: {  	vm2 =	vlt.f32 v11, $-5.000000000e+00;
	v41 =	vld.idx.msk [tilespmem:v33+s2+$0x0], $0xffff;
	vm12 =	vge.f32 v12, v27;
	vm14 =	vgt.f32 v11, $5.000000000e+00  }
0xca: {  	vm15 =	vlt.f32 v12, $-5.000000000e+00;
	vm9 =	vgt.f32 v12, $5.000000000e+00;
	vm10 =	vge.f32 v10, v52;
	v58 =	vld.idx.msk [tilespmem:v42+s20+$0x0], $0xffff  }
0xcb: {  	v27 =	vld.idx.msk [tilespmem:v37+s2+$0x0], $0xffff;
	vm1 =	vlt.f32 v10, $-5.000000000e+00;
	vm0 =	vgt.f32 v10, $5.000000000e+00;
	v62 =	vsel vm11, v2, v0  }
0xcc: {  	v50 =	vld.idx.msk [tilespmem:v28+s23+$0x0], $0xffff;
	v59 =	vsel vm12, v2, v0;
	v61 =	vsel vm10, v2, v0;
	v45 =	vor.u32 s17, v62  }
0xcd: {  	v40 =	vld.idx.msk [tilespmem:v54+s2+$0x0], $0xffff;
	v49 =	vor.u32 s18, v59;
	v60 =	vor.u32 $0x600, v45;
	v15 =	vsub.f32 v15, v22  }
0xce: {  	v51 =	vld.idx.msk [tilespmem:v28+s21+$0x0], $0xffff;
	v43 =	vmul.f32 v56, v18;
	v34 =	vor.u32 s25, v61;
	v22 =	vor.u32 $0x600, v49  }
0xcf: {  	v54 =	vld.idx.msk [tilespmem:v29+s23+$0x0], $0xffff;
	vm10 =	vge.f32 v7, v23;
	v63 =	vor.u32 $0x600, v34;
	v56 =	vmul.f32 v58, v15  }
0xd0: {  	v52 =	vor.u32 $0x800, v45;
	v53 =	vor.u32 $0x800, v49;
	v61 =	vld.idx.msk [tilespmem:v42+s23+$0x0], $0xffff;
	v39 =	vsel vm10, v39, v36  }
0xd1: {  	v59 =	vld.idx.msk [tilespmem:v29+s21+$0x0], $0xffff;
	v36 =	vsel vm15, $0x0, v3;
	vm8 =	vge.f32 v5, v27;
	v27 =	vsub.f32 $1.000000000e+00, v56  }
0xd2: {  	v32 =	vor.u32 $0x800, v34;
	vm13 =	vge.f32 v13, v40;
	v15 =	vor.u32 $0x800, v35;
	v23 =	vld.idx.msk [tilespmem:v60+s2+$0x0], $0xffff  }
0xd3: {  	v17 =	vadd.s32 v39, v17;
	v57 =	vsel vm13, v15, v35;
	v35 =	vld.idx.msk [tilespmem:v22+s2+$0x0], $0xffff;
	v22 =	vmul.f32 v27, v56  }
0xd4: {  	vm11 =	vge.f32 v6, v41;
	v41 =	vsel vm14, $0x200, v4;
	v38 =	vmul.f32 v38, v50;
	v15 =	vld.idx.msk [tilespmem:v63+s2+$0x0], $0xffff  }
0xd5: {  	v40 =	vld.idx.msk [tilespmem:v26+s21+$0x0], $0xffff;
	v48 =	vsel vm8, v30, v37;
	v58 =	vor.u32 $0x200, v57;
	v55 =	vmul.f32 v22, v61  }
0xd6: {  	v62 =	vld.idx.msk [tilespmem:v42+s22+$0x0], $0xffff;
	v30 =	vsel vm1, $0x0, v3;
	v43 =	vmul.f32 v43, v54;
	v27 =	vsel vm0, $0x200, v4  }
0xd7: {  	v37 =	vsel vm2, $0x0, v3;
	v60 =	vld.idx.msk [tilespmem:v26+s22+$0x0], $0xffff;
	v22 =	vadd.s32 v30, v27;
	v27 =	vadd.f32 $1.000000000e+00, v55  }
0xd8: {  	v46 =	vsel vm11, v46, v33;
	v16 =	vadd.s32 v48, v16;
	v43 =	vadd.f32 $1.000000000e+00, v43;
	v61 =	vld.idx.msk [tilespmem:v42+s21+$0x0], $0xffff  }
0xd9: {  	v26 =	vld.idx.msk [tilespmem:v26+s24+$0x0], $0xffff;
	vm13 =	vge.f32 v11, v23;
	vm12 =	vge.f32 v10, v15;
	(erf) = vrcp.f32 v27  }
0xda: {  	v54 =	vmul.f32 v20, v40;
	v30 =	vsel vm12, v32, v34;
	v32 =	vsel vm13, v52, v45;
	v63 =	vld.idx.msk [tilespmem:v58+s2+$0x0], $0xffff  }
0xdb: {  	v40 =	vmul.f32 v18, v59;
	v34 =	vld.idx.msk [tilespmem:v29+s22+$0x0], $0xffff;
	vm14 =	vge.f32 v12, v35;
	v52 =	vor.u32 $0x200, v32  }
0xdc: {  	s13 =	simm.s32 $0x13860;
	v23 =	vadd.s32 v37, v41;
	v55 =	vld.idx.msk [tilespmem:v28+s22+$0x0], $0xffff;
	v45 =	vor.u32 $0x200, v30;
	v33 =	vsel vm14, v53, v49  }
0xdd: {  	[tilespmem:s13+$0x10] =	vst v31;
	v15 =	vsel vm9, $0x200, v4;
	v28 =	vld.idx.msk [tilespmem:v28+s24+$0x0], $0xffff;
	v53 =	vor.u32 $0x200, v33;
	v48 =	vmul.f32 v56, v61  }
0xde: {  	v31 =	vadd.f32 v60, v54;
	v27 =	vadd.s32 v36, v15;
	v15 =	vadd.s32 v46, v25;
	v25 =	vld.idx.msk [tilespmem:v29+s24+$0x0], $0xffff  }
0xdf: {  	v58 =	vmul.f32 v19, v51;
	v37 =	vor.u32 $0x400, v32;
	v29 =	vld.idx.msk [tilespmem:v42+s24+$0x0], $0xffff;
	v39 =	vadd.f32 v62, v48  }
0xe0: {  	s11 =	simm.s32 $0x13820;
	v46 =	vadd.f32 $1.000000000e+00, v44;
	v61 =	vor.u32 $0x400, v57;
	vm15 =	vge.f32 v13, v63;
	v42 =	vld.idx.msk [tilespmem:v52+s2+$0x0], $0xffff  }
0xe1: {  	[tilespmem:s11+$0x10] =	vst v24;
	v62 =	vadd.f32 $1.000000000e+00, v38;
	v24 =	vsel vm15, v61, v57;
	v45 =	vld.idx.msk [tilespmem:v45+s2+$0x0], $0xffff;
	v39 =	vmul.f32 v39, v56  }
0xe2: {  	s8 =	sshll.u32 s5, $0xE;
	v35 =	vor.u32 $0x400, v30;
	v36 =	vor.u32 $0x400, v33;
	(erf) = vrcp.f32 v46;
	v44 =	vld.idx.msk [tilespmem:v53+s2+$0x0], $0xffff;
	v63 =	vpop (erf)  }
0xe3: {  	s14 =	simm.s32 $0xC;
	s9 =	simm.s32 $0x13860;
	[tilespmem:s11+$0xFFFFFFF0] =	vst v47;
	s17 =	simm.s32 $0x100;
	v38 =	vld.idx.msk [tilespmem:v17+s19+$0x0], $0xffff;
	(erf) = vrcp.f32 v62;
	v41 =	vmul.f32 v63, v39;
	v39 =	vadd.f32 v55, v58  }
.LBB2_3:
0xe4: {  	s3 =	sadd.s32 $0x10, s17;
	s4 =	sadd.s32 $0x30, s17;
	s14 =	sadd.s32 $0x4, s14;
	v46 =	vld.idx.msk [tilespmem:v15+s19+$0x0], $0xffff;
	v34 =	vadd.f32 v34, v40;
	v40 =	vmul.f32 v31, v20;
	(erf) = vrcp.f32 v43  }
0xe5: {  	s12 =	sadd.s32 $0x20, s17;
	s25 =	sand.u32 $0x1F0, s4;
	p1 =	slt.u32 s14, $0x1FC;
	v20 =	vld.idx.msk [tilespmem:v16+s19+$0x0], $0xffff;
	v29 =	vadd.f32 v41, v29;
	v39 =	vmul.f32 v39, v19;
	v19 =	vadd.f32 v21, v9  }
0xe6: {  	s13 =	sadd.s32 $0x40, s13;
	s3 =	sand.u32 $0x1D0, s3;
	s12 =	sand.u32 $0x1E0, s12;
	vm0 =	vge.f32 v11, v42;
	v9 =	vmovc v28;
	v21 =	vor.u32 s25, v1;
	v41 =	vld.idx.msk [tilespmem:v24+s2+$0x0], $0xffff;
	v34 =	vmul.f32 v34, v18  }
0xe7: {  	s4 =	sand.u32 $0x1C0, s17;
	v18 =	vor.u32 s3, v1;
	v42 =	vor.u32 s12, v1;
	vm1 =	vge.f32 v12, v44;
	v43 =	vld.idx.msk [tilespmem:v17+s20+$0x0], $0xffff;
	[tilespmem:s13+$0x10] =	vst v29  }
0xe8: {  	v44 =	vor.u32 s4, v1;
	v28 =	vsel vm0, v37, v32;
	vm2 =	vge.f32 v10, v45;
	v37 =	vld.idx.msk [tilespmem:v15+s20+$0x0], $0xffff;
	[tilespmem:s11+$0x0] =	vst v19  }
0xe9: {  	v31 =	vsel vm1, v36, v33;
	v29 =	vsel vm2, v35, v30;
	v30 =	vadd.s32 $0x200, v28;
	v35 =	vld.idx.msk [tilespmem:v16+s20+$0x0], $0xffff  }
0xea: {  	vm0 =	vlt.f32 v13, $-5.000000000e+00;
	v32 =	vadd.s32 $0x200, v31;
	v33 =	vadd.s32 $0x200, v29;
	v36 =	vld.idx.msk [tilespmem:v17+s23+$0x0], $0xffff  }
0xeb: {  	s10 =	sadd.s32 $0x40, s10;
	v19 =	vsel vm0, $0x0, v3;
	vm0 =	vgt.f32 v13, $5.000000000e+00;
	v7 =	vsub.f32 v7, v38;
	v45 =	vld.idx.msk [tilespmem:v21+s2+$0x0], $0xffff;
	v21 =	vpop (erf)  }
0xec: {  	v50 =	vadd.s32 $0x200, v24;
	v47 =	vsel vm0, $0x200, v4;
	vm1 =	vge.f32 v13, v41;
	v38 =	vld [tilespmem:s10+$0x10];
	v48 =	vpop (erf)  }
0xed: {  	v6 =	vsub.f32 v6, v46;
	v19 =	vadd.s32 v19, v47;
	v49 =	vld.idx.msk [tilespmem:v18+s2+$0x0], $0xffff;
	v18 =	vsel vm1, v50, v24;
	v41 =	vpop (erf)  }
0xee: {  	v46 =	vsub.f32 v5, v20;
	v20 =	vmul.f32 v43, v7;
	v42 =	vld.idx.msk [tilespmem:v42+s2+$0x0], $0xffff;
	v24 =	vadd.s32 v18, v19  }
0xef: {  	v19 =	vmul.f32 v37, v6;
	v37 =	vmul.f32 v21, v40;
	v40 =	vadd.f32 v14, v8;
	v43 =	vld.idx.msk [tilespmem:v44+s2+$0x0], $0xffff  }
0xf0: {  	v5 =	vmovc v10;
	v7 =	vmovc v11;
	v18 =	vmul.f32 v35, v46;
	v21 =	vmul.f32 v48, v39;
	v44 =	vsub.f32 $1.000000000e+00, v20;
	v10 =	vld [tilespmem:s10+$0xFFFFFFE0]  }
0xf1: {  	v14 =	vmul.f32 v41, v34;
	v6 =	vmovc v12;
	v35 =	vsub.f32 $1.000000000e+00, v19;
	v11 =	vld [tilespmem:s10+$0xFFFFFFF0];
	vm0 =	vge.f32 v38, v45;
	[tilespmem:s11+$0xFFFFFFE0] =	vst v40;
	s11 =	smov.u32 s9;
	s9 =	smov.u32 s13  }
0xf2: {  	v8 =	vmovc v25;
	v39 =	vsub.f32 $1.000000000e+00, v18;
	v40 =	vmul.f32 v44, v20;
	v12 =	vld [tilespmem:s10+$0x0];
	v34 =	vsel vm0, v2, v0  }
0xf3: {  	v26 =	vadd.f32 v37, v26;
	v41 =	vmul.f32 v35, v19;
	v25 =	vor.u32 s25, v34;
	v34 =	vld.idx.msk [tilespmem:v24+s19+$0x0], $0xffff  }
0xf4: {  	v39 =	vmul.f32 v39, v18;
	v40 =	vmul.f32 v40, v36;
	v35 =	vor.u32 $0x600, v25;
	v37 =	vld.idx.msk [tilespmem:v28+s2+$0x0], $0xffff  }
0xf5: {  	vm2 =	vge.f32 v10, v43;
	vm0 =	vlt.f32 v10, $-5.000000000e+00;
	vm1 =	vgt.f32 v10, $5.000000000e+00;
	v36 =	vld.idx.msk [tilespmem:v24+s20+$0x0], $0xffff;
	[tilespmem:s11+$0xFFFFFFF0] =	vst v26  }
0xf6: {  	v26 =	vsel vm2, v2, v0;
	vm3 =	vge.f32 v11, v49;
	vm2 =	vlt.f32 v11, $-5.000000000e+00;
	v43 =	vld.idx.msk [tilespmem:v31+s2+$0x0], $0xffff  }
0xf7: {  	v26 =	vor.u32 s4, v26;
	v44 =	vsel vm3, v2, v0;
	vm3 =	vge.f32 v12, v42;
	v42 =	vld.idx.msk [tilespmem:v29+s2+$0x0], $0xffff  }
0xf8: {  	v45 =	vor.u32 $0x600, v26;
	v44 =	vor.u32 s3, v44;
	v46 =	vsel vm3, v2, v0;
	v47 =	vld.idx.msk [tilespmem:v15+s23+$0x0], $0xffff  }
0xf9: {  	v34 =	vsub.f32 v13, v34;
	v13 =	vmovc v38;
	v48 =	vor.u32 $0x600, v44;
	v46 =	vor.u32 s12, v46;
	v35 =	vld.idx.msk [tilespmem:v35+s2+$0x0], $0xffff  }
0xfa: {  	v38 =	vor.u32 $0x800, v44;
	v49 =	vor.u32 $0x600, v46;
	v50 =	vor.u32 $0x800, v46;
	v51 =	vld.idx.msk [tilespmem:v16+s23+$0x0], $0xffff  }
0xfb: {  	v52 =	vor.u32 $0x800, v26;
	vm3 =	vgt.f32 v11, $5.000000000e+00;
	v54 =	vmul.f32 v36, v34;
	v53 =	vld.idx.msk [tilespmem:v24+s23+$0x0], $0xffff  }
0xfc: {  	vm4 =	vlt.f32 v12, $-5.000000000e+00;
	vm5 =	vgt.f32 v12, $5.000000000e+00;
	vm6 =	vge.f32 v7, v37;
	v55 =	vld.idx.msk [tilespmem:v17+s21+$0x0], $0xffff  }
0xfd: {  	vm8 =	vge.f32 v6, v43;
	vm7 =	vge.f32 v5, v42;
	v36 =	vsub.f32 $1.000000000e+00, v54;
	v34 =	vld.idx.msk [tilespmem:v45+s2+$0x0], $0xffff  }
0xfe: {  	v37 =	vsel vm0, $0x0, v3;
	v42 =	vsel vm1, $0x200, v4;
	v45 =	vsel vm2, $0x0, v3;
	v43 =	vld.idx.msk [tilespmem:v48+s2+$0x0], $0xffff  }
0xff: {  	vm0 =	vge.f32 v13, v35;
	v35 =	vor.u32 $0x800, v25;
	v36 =	vmul.f32 v36, v54;
	v48 =	vld.idx.msk [tilespmem:v49+s2+$0x0], $0xffff  }
0x100: {  	v56 =	vsel vm4, $0x0, v3;
	v49 =	vsel vm3, $0x200, v4;
	v57 =	vsel vm0, v35, v25;
	v58 =	vld.idx.msk [tilespmem:v15+s21+$0x0], $0xffff  }
0x101: {  	v25 =	vsel vm5, $0x200, v4;
	v35 =	vor.u32 $0x200, v57;
	v36 =	vmul.f32 v36, v53;
	v53 =	vld.idx.msk [tilespmem:v16+s21+$0x0], $0xffff  }
0x102: {  	v28 =	vsel vm6, v30, v28;
	v31 =	vsel vm8, v32, v31;
	v29 =	vsel vm7, v33, v29;
	v59 =	vld.idx.msk [tilespmem:v17+s22+$0x0], $0xffff  }
0x103: {  	v42 =	vadd.s32 v37, v42;
	vm0 =	vge.f32 v10, v34;
	v33 =	vadd.f32 $1.000000000e+00, v36;
	v60 =	vld.idx.msk [tilespmem:v24+s21+$0x0], $0xffff  }
0x104: {  	v30 =	vsel vm0, v52, v26;
	vm0 =	vge.f32 v11, v43;
	v43 =	vadd.s32 v45, v49;
	v49 =	vld.idx.msk [tilespmem:v15+s22+$0x0], $0xffff  }
0x105: {  	v32 =	vsel vm0, v38, v44;
	vm0 =	vge.f32 v12, v48;
	v38 =	vld.idx.msk [tilespmem:v24+s22+$0x0], $0xffff;
	(erf) = vrcp.f32 v33  }
0x106: {  	v45 =	vor.u32 $0x200, v30;
	v44 =	vor.u32 $0x200, v32;
	v33 =	vsel vm0, v50, v46;
	v46 =	vld.idx.msk [tilespmem:v35+s2+$0x0], $0xffff  }
0x107: {  	v37 =	vor.u32 $0x400, v32;
	v48 =	vor.u32 $0x200, v33;
	v36 =	vor.u32 $0x400, v33;
	v34 =	vld.idx.msk [tilespmem:v16+s22+$0x0], $0xffff  }
0x108: {  	v50 =	vadd.s32 v56, v25;
	v35 =	vor.u32 $0x400, v30;
	v26 =	vld.idx.msk [tilespmem:v17+s24+$0x0], $0xffff;
	v17 =	vadd.s32 v28, v23;
	v23 =	vmovc v43  }
0x109: {  	v43 =	vadd.s32 v29, v22;
	v52 =	vmul.f32 v54, v60;
	v28 =	vld.idx.msk [tilespmem:v15+s24+$0x0], $0xffff;
	v15 =	vadd.s32 v31, v27  }
0x10a: {  	v22 =	vmovc v42;
	v31 =	vmul.f32 v39, v51;
	v39 =	vadd.f32 $1.000000000e+00, v40;
	v40 =	vmul.f32 v41, v47;
	v25 =	vld.idx.msk [tilespmem:v16+s24+$0x0], $0xffff  }
.Ltmp2:
0x10b: {  	v41 =	vmul.f32 v20, v55;
	v47 =	vmul.f32 v19, v58;
	v38 =	vadd.f32 v38, v52;
	v29 =	vld.idx.msk [tilespmem:v24+s24+$0x0], $0xffff;
	(pc) =	sbr.rel @p1 .LBB2_3-.Ltmp2, $4  }
0x10c: {  	v27 =	vmovc v50;
	v16 =	vmovc v43;
	vm0 =	vge.f32 v13, v46;
	v24 =	vor.u32 $0x400, v57;
	v46 =	vadd.f32 $1.000000000e+00, v40;
	v42 =	vld.idx.msk [tilespmem:v44+s2+$0x0], $0xffff  }
0x10d: {  	v43 =	vadd.f32 $1.000000000e+00, v31;
	v24 =	vsel vm0, v24, v57;
	v44 =	vld.idx.msk [tilespmem:v48+s2+$0x0], $0xffff;
	v48 =	vmul.f32 v38, v54  }
0x10e: {  	v40 =	vmul.f32 v18, v53;
	v31 =	vadd.f32 v59, v41;
	v45 =	vld.idx.msk [tilespmem:v45+s2+$0x0], $0xffff;
	v50 =	vpop (erf);
	(erf) = vrcp.f32 v39  }
0x10f: {  	s17 =	sadd.s32 $0x40, s17;
	v39 =	vadd.f32 v49, v47;
	v38 =	vld.idx.msk [tilespmem:v17+s19+$0x0], $0xffff;
	v41 =	vmul.f32 v50, v48;
	(erf) = vrcp.f32 v46  }
0x110: {  	_ =	sdelay $0x3  }
0x111: {  	v46 =	vld.idx.msk [tilespmem:v24+s2+$0x0], $0xffff  }
0x112: {  	vm0 =	vge.f32 v11, v42  }
0x113: {  	v32 =	vsel vm0, v37, v32  }
0x114: {  	vm10 =	vlt.f32 v13, $-5.000000000e+00;
	vm11 =	vgt.f32 v13, $5.000000000e+00;
	v53 =	vld.idx.msk [tilespmem:v16+s20+$0x0], $0xffff;
	vm1 =	vge.f32 v12, v44  }
0x115: {  	v60 =	vadd.s32 $0x200, v24;
	v50 =	vld.idx.msk [tilespmem:v17+s23+$0x0], $0xffff;
	v59 =	vsel vm10, $0x0, v3;
	v33 =	vsel vm1, v36, v33  }
0x116: {  	v42 =	vld.idx.msk [tilespmem:v16+s19+$0x0], $0xffff;
	v61 =	vsel vm11, $0x200, v4;
	vm2 =	vge.f32 v10, v45;
	vm12 =	vge.f32 v13, v46  }
0x117: {  	v37 =	vld.idx.msk [tilespmem:v15+s19+$0x0], $0xffff;
	v62 =	vadd.s32 v59, v61;
	v30 =	vsel vm2, v35, v30;
	v24 =	vsel vm12, v60, v24  }
0x118: {  	v24 =	vadd.s32 v24, v62;
	v63 =	vld.idx.msk [tilespmem:v32+s2+$0x0], $0xffff  }
0x119: {  	v44 =	vld.idx.msk [tilespmem:v16+s21+$0x0], $0xffff  }
0x11a: {  	v52 =	vld.idx.msk [tilespmem:v33+s2+$0x0], $0xffff  }
0x11b: {  	v36 =	vld.idx.msk [tilespmem:v15+s20+$0x0], $0xffff  }
0x11c: {  	v47 =	vld.idx.msk [tilespmem:v30+s2+$0x0], $0xffff  }
0x11d: {  	v49 =	vadd.s32 $0x200, v32;
	v48 =	vld.idx.msk [tilespmem:v24+s19+$0x0], $0xffff;
	vm13 =	vge.f32 v11, v63  }
0x11e: {  	(erf) = vrcp.f32 v43;
	v46 =	vld.idx.msk [tilespmem:v17+s20+$0x0], $0xffff;
	v32 =	vsel vm13, v49, v32  }
0x11f: {  	v54 =	vadd.s32 $0x200, v33;
	v55 =	vld.idx.msk [tilespmem:v24+s20+$0x0], $0xffff;
	vm14 =	vge.f32 v12, v52;
	v23 =	vadd.s32 v32, v23  }
0x120: {  	v35 =	vld.idx.msk [tilespmem:v15+s23+$0x0], $0xffff;
	v7 =	vsub.f32 v7, v38;
	v56 =	vadd.s32 $0x200, v30;
	v33 =	vsel vm14, v54, v33  }
0x121: {  	v60 =	vadd.f32 v34, v40;
	v40 =	vld.idx.msk [tilespmem:v15+s21+$0x0], $0xffff;
	vm15 =	vge.f32 v10, v47;
	v27 =	vadd.s32 v33, v27  }
0x122: {  	v5 =	vsub.f32 v5, v42;
	v42 =	vld.idx.msk [tilespmem:v17+s22+$0x0], $0xffff;
	v58 =	vsel vm15, v56, v30;
	v57 =	vsub.f32 v13, v48  }
0x123: {  	v6 =	vsub.f32 v6, v37;
	v7 =	vmul.f32 v46, v7;
	v59 =	vld.idx.msk [tilespmem:v24+s23+$0x0], $0xffff;
	v13 =	vadd.s32 v58, v22  }
0x124: {  	v34 =	vmul.f32 v55, v57;
	v62 =	vld.idx.msk [tilespmem:v23+s19+$0x0], $0xffff  }
0x125: {  	v5 =	vmul.f32 v53, v5;
	v6 =	vmul.f32 v36, v6;
	v53 =	vsub.f32 $1.000000000e+00, v7;
	v54 =	vld.idx.msk [tilespmem:v23+s20+$0x0], $0xffff  }
0x126: {  	v20 =	vmul.f32 v31, v20;
	v9 =	vadd.f32 v21, v9;
	v63 =	vld.idx.msk [tilespmem:v27+s19+$0x0], $0xffff;
	v61 =	vsub.f32 $1.000000000e+00, v34  }
0x127: {  	v19 =	vmul.f32 v39, v19;
	v21 =	vmul.f32 v53, v7;
	v56 =	vsub.f32 $1.000000000e+00, v6;
	v57 =	vld.idx.msk [tilespmem:v27+s20+$0x0], $0xffff  }
0x128: {  	v18 =	vmul.f32 v60, v18;
	v51 =	vld.idx.msk [tilespmem:v13+s19+$0x0], $0xffff;
	v49 =	vmul.f32 v61, v34  }
0x129: {  	v8 =	vadd.f32 v14, v8;
	v31 =	vld.idx.msk [tilespmem:v24+s21+$0x0], $0xffff;
	v21 =	vmul.f32 v21, v50;
	v48 =	vpop (erf);
	v39 =	vmul.f32 v56, v6  }
0x12a: {  	v52 =	vpop (erf);
	v20 =	vmul.f32 v48, v20;
	v60 =	vsub.f32 v11, v62;
	v30 =	vmul.f32 v49, v59;
	v59 =	vld.idx.msk [tilespmem:v13+s20+$0x0], $0xffff  }
0x12b: {  	v32 =	vld.idx.msk [tilespmem:v16+s23+$0x0], $0xffff;
	v55 =	vpop (erf);
	v19 =	vmul.f32 v52, v19;
	v35 =	vmul.f32 v39, v35;
	v62 =	vsub.f32 v12, v63  }
0x12c: {  	v22 =	vld.idx.msk [tilespmem:v17+s21+$0x0], $0xffff;
	v58 =	vsub.f32 $1.000000000e+00, v5;
	v18 =	vmul.f32 v55, v18;
	v11 =	vmul.f32 v54, v60  }
0x12d: {  	v46 =	vld.idx.msk [tilespmem:v23+s23+$0x0], $0xffff;
	v30 =	vadd.f32 $1.000000000e+00, v30;
	v37 =	vsub.f32 v10, v51;
	v12 =	vmul.f32 v57, v62  }
0x12e: {  	v55 =	vmul.f32 v6, v40;
	v61 =	vmul.f32 v58, v5;
	v49 =	vld.idx.msk [tilespmem:v27+s23+$0x0], $0xffff;
	v48 =	vsub.f32 $1.000000000e+00, v11  }
0x12f: {  	v63 =	vld.idx.msk [tilespmem:v24+s22+$0x0], $0xffff;
	(erf) = vrcp.f32 v30;
	v50 =	vsub.f32 $1.000000000e+00, v12;
	v10 =	vmul.f32 v59, v37  }
0x130: {  	v21 =	vadd.f32 $1.000000000e+00, v21;
	v47 =	vmul.f32 v61, v32;
	v51 =	vld.idx.msk [tilespmem:v13+s23+$0x0], $0xffff;
	v32 =	vmul.f32 v48, v11  }
0x131: {  	v17 =	vld.idx.msk [tilespmem:v17+s24+$0x0], $0xffff;
	v45 =	vmul.f32 v34, v31;
	v37 =	vmul.f32 v50, v12;
	v53 =	vsub.f32 $1.000000000e+00, v10  }
0x132: {  	v52 =	vld.idx.msk [tilespmem:v15+s22+$0x0], $0xffff;
	v35 =	vadd.f32 $1.000000000e+00, v35;
	(erf) = vrcp.f32 v21;
	v30 =	vmul.f32 v32, v46  }
0x133: {  	v58 =	vld.idx.msk [tilespmem:v23+s21+$0x0], $0xffff;
	v31 =	vadd.f32 $1.000000000e+00, v47;
	v57 =	vmul.f32 v37, v49;
	v56 =	vmul.f32 v53, v10  }
0x134: {  	v24 =	vld.idx.msk [tilespmem:v24+s24+$0x0], $0xffff;
	v14 =	vadd.f32 v63, v45;
	(erf) = vrcp.f32 v35;
	v30 =	vadd.f32 $1.000000000e+00, v30  }
0x135: {  	v54 =	vld.idx.msk [tilespmem:v16+s22+$0x0], $0xffff;
	(erf) = vrcp.f32 v31;
	v21 =	vadd.f32 $1.000000000e+00, v57;
	v59 =	vmul.f32 v56, v51  }
0x136: {  	v29 =	vadd.f32 v41, v29;
	[tilespmem:s11+$0x0] =	vst v9;
	v22 =	vmul.f32 v7, v22;
	v60 =	vld.idx.msk [tilespmem:v27+s21+$0x0], $0xffff;
	(erf) = vrcp.f32 v30  }
0x137: {  	[tilespmem:s11+$0xFFFFFFE0] =	vst v8;
	v63 =	vld.idx.msk [tilespmem:v13+s21+$0x0], $0xffff;
	v14 =	vmul.f32 v14, v34;
	(erf) = vrcp.f32 v21;
	v35 =	vadd.f32 $1.000000000e+00, v59  }
0x138: {  	s3 =	sadd.s32 $0x40, s13;
	v40 =	vadd.f32 v20, v26;
	v62 =	vmul.f32 v5, v44;
	v44 =	vadd.f32 v42, v22;
	v46 =	vld.idx.msk [tilespmem:v27+s22+$0x0], $0xffff;
	v61 =	vpop (erf)  }
0x139: {  	[tilespmem:s3+$0x10] =	vst v29;
	v41 =	vld.idx.msk [tilespmem:v23+s22+$0x0], $0xffff;
	v45 =	vadd.f32 v52, v55;
	v14 =	vmul.f32 v61, v14;
	(erf) = vrcp.f32 v35  }
0x13a: {  	[tilespmem:s9+$0xFFFFFFF0] =	vst v40;
	v7 =	vmul.f32 v44, v7;
	v48 =	vld.idx.msk [tilespmem:v13+s22+$0x0], $0xffff;
	v47 =	vadd.f32 v54, v62  }
0x13b: {  	v6 =	vmul.f32 v45, v6;
	v49 =	vld.idx.msk [tilespmem:v15+s24+$0x0], $0xffff;
	v53 =	vmul.f32 v12, v60;
	v54 =	vpop (erf);
	v14 =	vadd.f32 v14, v24  }
0x13c: {  	s4 =	sadd.s32 $0x40, s3;
	v18 =	vadd.f32 v18, v25;
	v52 =	vld.idx.msk [tilespmem:v16+s24+$0x0], $0xffff;
	v51 =	vmul.f32 v11, v58;
	v7 =	vmul.f32 v54, v7  }
0x13d: {  	v5 =	vmul.f32 v47, v5;
	v55 =	vmul.f32 v10, v63;
	v57 =	vpop (erf);
	[tilespmem:s4+$0x10] =	vst v14;
	v14 =	vadd.f32 v46, v53  }
0x13e: {  	v60 =	vld.idx.msk [tilespmem:v27+s24+$0x0], $0xffff;
	v56 =	vadd.f32 v41, v51;
	v59 =	vpop (erf);
	v6 =	vmul.f32 v57, v6;
	v7 =	vadd.f32 v7, v17  }
0x13f: {  	v58 =	vld.idx.msk [tilespmem:v23+s24+$0x0], $0xffff;
	v8 =	vadd.f32 v48, v55;
	v5 =	vmul.f32 v59, v5;
	v12 =	vmul.f32 v14, v12;
	v62 =	vpop (erf)  }
0x140: {  	[tilespmem:s9+$0xFFFFFFE0] =	vst v18;
	v61 =	vld.idx.msk [tilespmem:v13+s24+$0x0], $0xffff;
	v9 =	vmul.f32 v56, v11;
	v6 =	vadd.f32 v6, v49;
	v63 =	vpop (erf)  }
0x141: {  	v8 =	vmul.f32 v8, v10;
	[tilespmem:s3+$0xFFFFFFF0] =	vst v7;
	v5 =	vadd.f32 v5, v52;
	v10 =	vmul.f32 v63, v12  }
0x142: {  	v50 =	vadd.f32 v19, v28;
	[tilespmem:s3+$0x0] =	vst v6;
	v9 =	vmul.f32 v62, v9;
	v7 =	vpop (erf)  }
0x143: {  	p1 =	sne.s32 s5, $0xF;
	[tilespmem:s3+$0xFFFFFFE0] =	vst v5;
	v5 =	vadd.f32 v10, v60;
	v6 =	vmul.f32 v7, v8  }
.Ltmp3:
0x144: {  	[tilespmem:s9+$0x0] =	vst v50;
	v7 =	vadd.f32 v9, v58;
	(pc) =	sbr.rel @p1 .LBB2_6-.Ltmp3, $4  }
0x145: {  	s25 =	sor.u32 s7, s8;
	[tilespmem:s4+$0x0] =	vst v5;
	v6 =	vadd.f32 v6, v61  }
0x146: {  	s9 =	sshrl.u32 s25, $0x3;
	[tilespmem:s4+$0xFFFFFFF0] =	vst v7  }
0x147: {  	s3 =	sadd.s32 s6, s9;
	[tilespmem:s4+$0xFFFFFFE0] =	vst v6  }
0x148: {  	[hbm4b:s3+s2] =	stream.linear.scatter [tilespmem:s29], [sflag:$0x3], $0x2000, $0x38;
	[tilespmem:$0x17800] =	vst v63  }
.Ltmp4:
0x149: {  	(pc) =	sbr.rel .LBB2_7-.Ltmp4, $4  }
0x14a: {  	_ = 	snop  }
0x14b: {  	_ =	swait.ge [sflag:s30], $0x2000  }
0x14c: {  	[sflag:s30] =	ssyncset.done $0x0  }
0x14d: {  	[sflag:s30] =	ssyncadd.s32 $0xFFFFE000  }
.LBB2_6:
0x14e: {  	s3 =	sadd.s32 s8, s15  }
0x14f: {  	s3 =	sshrl.u32 s3, $0x3  }
.Ltmp5:
0x150: {  	s4 =	simm.s32 $0xF800;
	s3 =	sadd.s32 s1, s3;
	(pc) =	sbr.rel @p0 .LBB2_8-.Ltmp5, $4  }
0x151: {  	[tilespmem:s4], [sflag:$0x1] =	stream.linear.gather [hbm4b:s3+s2], $0x2000, $0x38;
	[tilespmem:$0x17800] =	vst v63  }
0x152: {  	_ =	swait.ge [sflag:s30], $0x2000  }
0x153: {  	[sflag:s30] =	ssyncset.done $0x0  }
0x154: {  	[sflag:s30] =	ssyncadd.s32 $0xFFFFE000  }
.LBB2_7:
0x155: {  	_ =	swait.ge [sflag:s31], $0x2000  }
0x156: {  	[sflag:s31] =	ssyncset.done $0x0  }
0x157: {  	[sflag:s31] =	ssyncadd.s32 $0xFFFFE000  }
.LBB2_8:
0x158: {  	s3 =	simm.s32 $0x30  }
0x159: {  	s3 =	sand.u32 $0x1F0, s3  }
0x15a: {  	v5 =	vor.u32 s3, v1;
	_ =	sdelay $0x2  }
0x15b: {  	s4 =	simm.s32 $0x11820  }
0x15c: {  	v9 =	vld [tilespmem:s4+$0x10]  }
0x15d: {  	v5 =	vld.idx.msk [tilespmem:v5+s2+$0x0], $0xffff;
	_ =	sdelay $0x1  }
0x15e: {  	s10 =	simm.s32 $0x10  }
0x15f: {  	s10 =	sand.u32 $0x1D0, s10  }
0x160: {  	v6 =	vor.u32 s10, v1  }
0x161: {  	vm0 =	vge.f32 v9, v5  }
0x162: {  	v5 =	vsel vm0, v2, v0  }
0x163: {  	v7 =	vor.u32 s3, v5  }
0x164: {  	v8 =	vor.u32 $0x600, v7  }
0x165: {  	v6 =	vld.idx.msk [tilespmem:v6+s2+$0x0], $0xffff  }
0x166: {  	v5 =	vld [tilespmem:s4+$0xFFFFFFF0]  }
0x167: {  	s11 =	simm.s32 $0x20  }
0x168: {  	s25 =	simm.s32 $0x0;
	s11 =	sand.u32 $0x1E0, s11  }
0x169: {  	v11 =	vor.u32 s11, v1;
	s3 =	sand.u32 $0x1C0, s25;
	v8 =	vld.idx.msk [tilespmem:v8+s2+$0x0], $0xffff  }
0x16a: {  	v10 =	vor.u32 s3, v1  }
0x16b: {  	vm6 =	vge.f32 v5, v6  }
0x16c: {  	v6 =	vsel vm6, v2, v0  }
0x16d: {  	v12 =	vor.u32 s10, v6  }
0x16e: {  	v11 =	vld.idx.msk [tilespmem:v11+s2+$0x0], $0xffff;
	v13 =	vor.u32 $0x600, v12;
	vm7 =	vge.f32 v9, v8;
	v8 =	vor.u32 $0x800, v7  }
0x16f: {  	v10 =	vld.idx.msk [tilespmem:v10+s2+$0x0], $0xffff;
	v8 =	vsel vm7, v8, v7  }
0x170: {  	v6 =	vld [tilespmem:s4+$0xFFFFFFE0];
	v14 =	vor.u32 $0x200, v8  }
0x171: {  	v7 =	vld [tilespmem:s4+$0x0];
	_ =	sdelay $0x1  }
0x172: {  	v13 =	vld.idx.msk [tilespmem:v13+s2+$0x0], $0xffff;
	_ =	sdelay $0x1  }
0x173: {  	vm8 =	vge.f32 v6, v10;
	v14 =	vld.idx.msk [tilespmem:v14+s2+$0x0], $0xffff  }
0x174: {  	v10 =	vsel vm8, v2, v0;
	vm9 =	vge.f32 v7, v11  }
0x175: {  	v16 =	vor.u32 $0x800, v12;
	v15 =	vor.u32 s3, v10;
	v11 =	vsel vm9, v2, v0  }
0x176: {  	v10 =	vor.u32 $0x600, v15;
	vm10 =	vge.f32 v5, v13;
	v11 =	vor.u32 s11, v11  }
0x177: {  	v16 =	vsel vm10, v16, v12;
	v13 =	vor.u32 $0x600, v11  }
0x178: {  	s10 =	simm.s32 $0x70;
	v12 =	vor.u32 $0x200, v16;
	vm11 =	vge.f32 v9, v14;
	v14 =	vor.u32 $0x400, v8  }
0x179: {  	s11 =	sand.u32 $0x1F0, s10;
	v14 =	vsel vm11, v14, v8  }
0x17a: {  	s18 =	simm.s32 $0x50;
	v8 =	vor.u32 s11, v1  }
0x17b: {  	s25 =	simm.s32 $0x60;
	s3 =	sand.u32 $0x1D0, s18;
	v10 =	vld.idx.msk [tilespmem:v10+s2+$0x0], $0xffff  }
0x17c: {  	s13 =	sand.u32 $0x1E0, s25;
	v17 =	vor.u32 s3, v1;
	v13 =	vld.idx.msk [tilespmem:v13+s2+$0x0], $0xffff  }
0x17d: {  	s12 =	simm.s32 $0x40;
	v18 =	vld.idx.msk [tilespmem:v12+s2+$0x0], $0xffff;
	v12 =	vor.u32 s13, v1  }
0x17e: {  	s14 =	sand.u32 $0x1C0, s12;
	v19 =	vld.idx.msk [tilespmem:v14+s2+$0x0], $0xffff  }
0x17f: {  	s17 =	simm.s32 $0x11860;
	v20 =	vor.u32 s14, v1;
	vm5 =	vlt.f32 v9, $-5.000000000e+00;
	vm0 =	vlt.f32 v5, $-5.000000000e+00;
	v21 =	vld.idx.msk [tilespmem:v8+s2+$0x0], $0xffff  }
0x180: {  	vm12 =	vgt.f32 v9, $5.000000000e+00;
	vm15 =	vgt.f32 v5, $5.000000000e+00;
	v29 =	vsel vm0, $0x0, v3;
	v8 =	vld [tilespmem:s17+$0x10]  }
0x181: {  	v22 =	vor.u32 $0x800, v11;
	vm3 =	vge.f32 v6, v10;
	vm4 =	vge.f32 v7, v13;
	v13 =	vld.idx.msk [tilespmem:v17+s2+$0x0], $0xffff  }
0x182: {  	v10 =	vsel vm5, $0x0, v3;
	v17 =	vsel vm4, v22, v11;
	v22 =	vld.idx.msk [tilespmem:v12+s2+$0x0], $0xffff;
	v12 =	vsel vm12, $0x200, v4  }
0x183: {  	v11 =	vadd.s32 $0x200, v14;
	v12 =	vadd.s32 v10, v12;
	v10 =	vld [tilespmem:s17+$0xFFFFFFE0];
	vm13 =	vge.f32 v9, v19  }
0x184: {  	v23 =	vor.u32 $0x800, v15;
	v19 =	vld.idx.msk [tilespmem:v20+s2+$0x0], $0xffff;
	v20 =	vor.u32 $0x200, v17;
	v11 =	vsel vm13, v11, v14  }
0x185: {  	v31 =	vsel vm15, $0x200, v4;
	v14 =	vsel vm3, v23, v15;
	v15 =	vadd.s32 v11, v12;
	v12 =	vld [tilespmem:s17+$0xFFFFFFF0]  }
0x186: {  	vm1 =	vlt.f32 v6, $-5.000000000e+00;
	vm14 =	vge.f32 v8, v21;
	v21 =	vor.u32 $0x200, v14;
	v11 =	vld [tilespmem:s17+$0x0]  }
0x187: {  	vm2 =	vgt.f32 v6, $5.000000000e+00;
	v24 =	vsel vm1, $0x0, v3;
	v23 =	vsel vm14, v2, v0  }
0x188: {  	v25 =	vsel vm2, $0x200, v4;
	v27 =	vor.u32 $0x400, v16;
	v23 =	vor.u32 s11, v23  }
0x189: {  	vm10 =	vge.f32 v5, v18;
	v26 =	vor.u32 $0x600, v23;
	v20 =	vld.idx.msk [tilespmem:v20+s2+$0x0], $0xffff;
	vm11 =	vge.f32 v10, v19  }
0x18a: {  	v16 =	vsel vm10, v27, v16;
	v19 =	vsel vm11, v2, v0;
	v18 =	vld.idx.msk [tilespmem:v15+s19+$0x0], $0xffff;
	vm12 =	vge.f32 v12, v13  }
0x18b: {  	v13 =	vld.idx.msk [tilespmem:v21+s2+$0x0], $0xffff;
	v19 =	vor.u32 s14, v19;
	vm13 =	vge.f32 v11, v22;
	v21 =	vsel vm12, v2, v0  }
0x18c: {  	v22 =	vld.idx.msk [tilespmem:v15+s20+$0x0], $0xffff;
	v27 =	vor.u32 $0x600, v19;
	v28 =	vsel vm13, v2, v0;
	v21 =	vor.u32 s3, v21  }
0x18d: {  	v24 =	vadd.s32 v24, v25;
	v28 =	vor.u32 s13, v28;
	v30 =	vor.u32 $0x600, v21  }
0x18e: {  	vm8 =	vlt.f32 v7, $-5.000000000e+00;
	vm9 =	vgt.f32 v7, $5.000000000e+00;
	v26 =	vld.idx.msk [tilespmem:v26+s2+$0x0], $0xffff;
	v33 =	vor.u32 $0x600, v28  }
0x18f: {  	v32 =	vsel vm8, $0x0, v3;
	v34 =	vor.u32 $0x400, v17;
	v25 =	vld.idx.msk [tilespmem:v15+s23+$0x0], $0xffff;
	v9 =	vsub.f32 v9, v18  }
0x190: {  	v42 =	vor.u32 $0x400, v14;
	vm11 =	vlt.f32 v10, $-5.000000000e+00;
	vm14 =	vge.f32 v7, v20;
	v20 =	vld.idx.msk [tilespmem:v16+s2+$0x0], $0xffff  }
0x191: {  	v17 =	vsel vm14, v34, v17;
	vm15 =	vge.f32 v6, v13;
	v22 =	vmul.f32 v22, v9;
	v9 =	vld.idx.msk [tilespmem:v27+s2+$0x0], $0xffff  }
0x192: {  	v37 =	vor.u32 $0x800, v19;
	vm13 =	vgt.f32 v10, $5.000000000e+00;
	v13 =	vsel vm15, v42, v14;
	v14 =	vld.idx.msk [tilespmem:v30+s2+$0x0], $0xffff  }
0x193: {  	v35 =	vor.u32 $0x800, v21;
	v36 =	vor.u32 $0x800, v28;
	vm4 =	vge.f32 v8, v26;
	v30 =	vld.idx.msk [tilespmem:v33+s2+$0x0], $0xffff  }
0x194: {  	v26 =	vor.u32 $0x800, v23;
	v27 =	vadd.s32 v29, v31;
	v29 =	vsub.f32 $1.000000000e+00, v22  }
0x195: {  	vm14 =	vlt.f32 v12, $-5.000000000e+00;
	v18 =	vsel vm9, $0x200, v4;
	v23 =	vsel vm4, v26, v23  }
0x196: {  	v44 =	vadd.s32 $0x200, v17;
	v31 =	vor.u32 $0x200, v23;
	v45 =	vld.idx.msk [tilespmem:v17+s2+$0x0], $0xffff;
	v29 =	vmul.f32 v29, v22  }
0x197: {  	v26 =	vadd.s32 $0x200, v16;
	vm5 =	vge.f32 v5, v20;
	vm7 =	vge.f32 v10, v9  }
0x198: {  	v20 =	vmul.f32 v29, v25;
	vm8 =	vge.f32 v11, v30;
	v30 =	vsel vm7, v37, v19  }
0x199: {  	v38 =	vld.idx.msk [tilespmem:v13+s2+$0x0], $0xffff;
	vm6 =	vge.f32 v12, v14;
	v14 =	vsel vm5, v26, v16;
	v16 =	vor.u32 $0x200, v30  }
0x19a: {  	v18 =	vadd.s32 v32, v18;
	v29 =	vld.idx.msk [tilespmem:v15+s21+$0x0], $0xffff;
	v14 =	vadd.s32 v14, v27;
	v9 =	vadd.f32 $1.000000000e+00, v20  }
0x19b: {  	v21 =	vsel vm6, v35, v21;
	v25 =	vsel vm8, v36, v28;
	v28 =	vld.idx.msk [tilespmem:v31+s2+$0x0], $0xffff;
	vm9 =	vge.f32 v7, v45  }
0x19c: {  	v20 =	vor.u32 $0x200, v21;
	(erf) = vrcp.f32 v9;
	v9 =	vsel vm9, v44, v17;
	v17 =	vld.idx.msk [tilespmem:v15+s22+$0x0], $0xffff  }
0x19d: {  	vm15 =	vgt.f32 v12, $5.000000000e+00;
	v43 =	vadd.s32 $0x200, v13;
	v19 =	vor.u32 $0x200, v25;
	v15 =	vld.idx.msk [tilespmem:v15+s24+$0x0], $0xffff  }
0x19e: {  	vm8 =	vlt.f32 v11, $-5.000000000e+00;
	v50 =	vor.u32 $0x400, v30;
	vm10 =	vge.f32 v6, v38;
	v16 =	vld.idx.msk [tilespmem:v16+s2+$0x0], $0xffff  }
0x19f: {  	v31 =	vsel vm8, $0x0, v3;
	v13 =	vsel vm10, v43, v13;
	v9 =	vadd.s32 v9, v18;
	v27 =	vld.idx.msk [tilespmem:v14+s19+$0x0], $0xffff  }
0x1a0: {  	v13 =	vadd.s32 v13, v24;
	v18 =	vor.u32 $0x400, v23;
	vm12 =	vge.f32 v8, v28;
	v49 =	vld.idx.msk [tilespmem:v14+s20+$0x0], $0xffff  }
0x1a1: {  	v35 =	vor.u32 $0x400, v21;
	vm9 =	vgt.f32 v11, $5.000000000e+00;
	v20 =	vld.idx.msk [tilespmem:v20+s2+$0x0], $0xffff;
	v23 =	vsel vm12, v18, v23  }
0x1a2: {  	v36 =	vor.u32 $0x400, v25;
	v24 =	vmul.f32 v22, v29;
	v46 =	vsel vm9, $0x200, v4;
	v26 =	vld.idx.msk [tilespmem:v19+s2+$0x0], $0xffff  }
0x1a3: {  	s18 =	simm.s32 $0xB0;
	v28 =	vsel vm15, $0x200, v4;
	v39 =	vld.idx.msk [tilespmem:v14+s23+$0x0], $0xffff;
	v18 =	vsel vm11, $0x0, v3;
	v19 =	vsel vm13, $0x200, v4  }
0x1a4: {  	s25 =	sand.u32 $0x1F0, s18;
	vm12 =	vlt.f32 v8, $-5.000000000e+00;
	v17 =	vadd.f32 v17, v24;
	v24 =	vsel vm14, $0x0, v3;
	v29 =	vld.idx.msk [tilespmem:v9+s19+$0x0], $0xffff  }
0x1a5: {  	v18 =	vadd.s32 v18, v19;
	v47 =	vld.idx.msk [tilespmem:v13+s19+$0x0], $0xffff;
	v19 =	vadd.s32 v24, v28;
	v28 =	vor.u32 s25, v1  }
0x1a6: {  	s13 =	simm.s32 $0x90;
	v52 =	vadd.s32 $0x200, v23;
	vm14 =	vgt.f32 v8, $5.000000000e+00;
	v17 =	vmul.f32 v17, v22;
	v48 =	vld.idx.msk [tilespmem:v23+s2+$0x0], $0xffff  }
0x1a7: {  	s17 =	simm.s32 $0x80;
	s3 =	sand.u32 $0x1D0, s13;
	v40 =	vsel vm14, $0x200, v4;
	vm10 =	vge.f32 v12, v20;
	v20 =	vld.idx.msk [tilespmem:v13+s20+$0x0], $0xffff;
	vm11 =	vge.f32 v11, v26;
	v22 =	vpop (erf)  }
0x1a8: {  	s11 =	sand.u32 $0x1C0, s17;
	v51 =	vld.idx.msk [tilespmem:v9+s20+$0x0], $0xffff;
	v17 =	vmul.f32 v22, v17;
	v22 =	vadd.s32 v31, v46;
	v31 =	vor.u32 s3, v1  }
0x1a9: {  	v44 =	vld.idx.msk [tilespmem:v9+s23+$0x0], $0xffff;
	vm13 =	vge.f32 v10, v16;
	v26 =	vor.u32 s11, v1;
	v25 =	vsel vm11, v36, v25  }
0x1aa: {  	s18 =	simm.s32 $0x118A0;
	s14 =	simm.s32 $0xA0;
	v5 =	vsub.f32 v5, v27;
	v37 =	vadd.s32 $0x200, v25;
	v16 =	vld.idx.msk [tilespmem:v28+s2+$0x0], $0xffff;
	v6 =	vsub.f32 v6, v47  }
0x1ab: {  	s4 =	sand.u32 $0x1E0, s14;
	v28 =	vsel vm12, $0x0, v3;
	v7 =	vsub.f32 v7, v29;
	v24 =	vadd.f32 v17, v15;
	v15 =	vld [tilespmem:s18+$0x10]  }
0x1ac: {  	v17 =	vor.u32 s4, v1;
	vm15 =	vge.f32 v8, v48;
	v20 =	vmul.f32 v20, v6;
	v6 =	vld [tilespmem:s18+$0x0]  }
0x1ad: {  	v28 =	vadd.s32 v28, v40;
	v23 =	vsel vm15, v52, v23;
	v27 =	vld.idx.msk [tilespmem:v31+s2+$0x0], $0xffff;
	v31 =	vsel vm10, v35, v21  }
0x1ae: {  	v26 =	vld.idx.msk [tilespmem:v26+s2+$0x0], $0xffff;
	v34 =	vadd.s32 v23, v28;
	v28 =	vsel vm13, v50, v30;
	v23 =	vmul.f32 v49, v5  }
0x1af: {  	v21 =	vmul.f32 v51, v7;
	v5 =	vld [tilespmem:s18+$0xFFFFFFE0];
	v54 =	vsub.f32 $1.000000000e+00, v20;
	v29 =	vadd.s32 $0x200, v31  }
0x1b0: {  	v7 =	vld [tilespmem:s18+$0xFFFFFFF0];
	v30 =	vsub.f32 $1.000000000e+00, v23;
	vm8 =	vge.f32 v15, v16;
	v16 =	vadd.s32 $0x200, v28  }
0x1b1: {  	v46 =	vld.idx.msk [tilespmem:v13+s23+$0x0], $0xffff;
	v32 =	vsub.f32 $1.000000000e+00, v21;
	v35 =	vmul.f32 v54, v20;
	v53 =	vsel vm8, v2, v0  }
0x1b2: {  	v52 =	vld.idx.msk [tilespmem:v14+s21+$0x0], $0xffff;
	vm14 =	vlt.f32 v6, $-5.000000000e+00;
	vm15 =	vgt.f32 v6, $5.000000000e+00;
	v30 =	vmul.f32 v30, v23  }
0x1b3: {  	v17 =	vld.idx.msk [tilespmem:v17+s2+$0x0], $0xffff;
	v33 =	vor.u32 s25, v53;
	v32 =	vmul.f32 v32, v21;
	v53 =	vsel vm14, $0x0, v3  }
0x1b4: {  	v55 =	vld.idx.msk [tilespmem:v34+s19+$0x0], $0xffff;
	v56 =	vor.u32 $0x600, v33;
	vm9 =	vge.f32 v5, v26;
	vm0 =	vlt.f32 v5, $-5.000000000e+00  }
0x1b5: {  	v57 =	vld.idx.msk [tilespmem:v31+s2+$0x0], $0xffff;
	vm10 =	vge.f32 v7, v27;
	vm1 =	vgt.f32 v5, $5.000000000e+00;
	v58 =	vsel vm9, v2, v0  }
0x1b6: {  	v26 =	vld.idx.msk [tilespmem:v34+s20+$0x0], $0xffff;
	v30 =	vmul.f32 v30, v39;
	v41 =	vsel vm10, v2, v0;
	v39 =	vor.u32 s11, v58  }
0x1b7: {  	v27 =	vld.idx.msk [tilespmem:v25+s2+$0x0], $0xffff;
	vm12 =	vlt.f32 v7, $-5.000000000e+00;
	v41 =	vor.u32 s3, v41;
	v42 =	vor.u32 $0x600, v39  }
0x1b8: {  	vm13 =	vgt.f32 v7, $5.000000000e+00;
	vm11 =	vge.f32 v6, v17;
	v17 =	vld.idx.msk [tilespmem:v28+s2+$0x0], $0xffff;
	v45 =	vor.u32 $0x600, v41  }
0x1b9: {  	v50 =	vld.idx.msk [tilespmem:v34+s23+$0x0], $0xffff;
	v61 =	vor.u32 $0x800, v33;
	v43 =	vsel vm11, v2, v0;
	v8 =	vsub.f32 v8, v55  }
0x1ba: {  	v60 =	vsel vm1, $0x200, v4;
	v62 =	vsel vm12, $0x0, v3;
	v43 =	vor.u32 s4, v43;
	v38 =	vld.idx.msk [tilespmem:v56+s2+$0x0], $0xffff  }
0x1bb: {  	v40 =	vld.idx.msk [tilespmem:v34+s22+$0x0], $0xffff;
	v63 =	vsel vm13, $0x200, v4;
	v59 =	vor.u32 $0x600, v43;
	v51 =	vmul.f32 v26, v8  }
0x1bc: {  	v47 =	vor.u32 $0x800, v41;
	vm6 =	vge.f32 v12, v57;
	vm8 =	vge.f32 v11, v27;
	v8 =	vld.idx.msk [tilespmem:v42+s2+$0x0], $0xffff  }
0x1bd: {  	v29 =	vsel vm6, v29, v31;
	vm7 =	vge.f32 v10, v17;
	v27 =	vld.idx.msk [tilespmem:v45+s2+$0x0], $0xffff;
	v17 =	vsub.f32 $1.000000000e+00, v51  }
0x1be: {  	v55 =	vld.idx.msk [tilespmem:v13+s21+$0x0], $0xffff;
	v31 =	vsel vm8, v37, v25;
	v26 =	vsel vm0, $0x0, v3;
	v28 =	vsel vm7, v16, v28  }
0x1bf: {  	v57 =	vld.idx.msk [tilespmem:v14+s24+$0x0], $0xffff;
	v16 =	vadd.s32 v26, v60;
	vm10 =	vge.f32 v15, v38;
	v17 =	vmul.f32 v17, v51  }
0x1c0: {  	v26 =	vadd.s32 v29, v19;
	v29 =	vadd.s32 v28, v18;
	v36 =	vld.idx.msk [tilespmem:v59+s2+$0x0], $0xffff;
	v33 =	vsel vm10, v61, v33  }
0x1c1: {  	v28 =	vadd.s32 v31, v22;
	v22 =	vld.idx.msk [tilespmem:v34+s24+$0x0], $0xffff;
	v54 =	vor.u32 $0x200, v33;
	v17 =	vmul.f32 v17, v50  }
0x1c2: {  	v49 =	vor.u32 $0x800, v39;
	v38 =	vld.idx.msk [tilespmem:v9+s21+$0x0], $0xffff;
	vm11 =	vge.f32 v5, v8;
	vm12 =	vge.f32 v7, v27  }
0x1c3: {  	v8 =	vld.idx.msk [tilespmem:v34+s21+$0x0], $0xffff;
	v37 =	vsel vm11, v49, v39;
	v39 =	vsel vm12, v47, v41;
	v25 =	vadd.f32 $1.000000000e+00, v17  }
0x1c4: {  	v48 =	vor.u32 $0x800, v43;
	v56 =	vsel vm15, $0x200, v4;
	v50 =	vld.idx.msk [tilespmem:v14+s22+$0x0], $0xffff;
	v60 =	vor.u32 $0x200, v39  }
0x1c5: {  	v27 =	vld.idx.msk [tilespmem:v9+s22+$0x0], $0xffff;
	vm13 =	vge.f32 v6, v36;
	v36 =	vor.u32 $0x200, v37;
	(erf) = vrcp.f32 v25  }
0x1c6: {  	vm6 =	vlt.f32 v15, $-5.000000000e+00;
	v19 =	vmul.f32 v32, v44;
	vm7 =	vgt.f32 v15, $5.000000000e+00;
	v41 =	vld.idx.msk [tilespmem:v54+s2+$0x0], $0xffff  }
0x1c7: {  	s14 =	simm.s32 $0xC0;
	s25 =	simm.s32 $0xF0;
	v18 =	vadd.f32 $1.000000000e+00, v30;
	v30 =	vmul.f32 v23, v52;
	v17 =	vadd.s32 v62, v63;
	v62 =	vld.idx.msk [tilespmem:v13+s22+$0x0], $0xffff  }
0x1c8: {  	s4 =	sand.u32 $0x1F0, s25;
	s25 =	sand.u32 $0x1C0, s14;
	v19 =	vadd.f32 $1.000000000e+00, v19;
	v43 =	vsel vm13, v48, v43;
	v14 =	vmul.f32 v51, v8;
	v8 =	vld.idx.msk [tilespmem:v13+s24+$0x0], $0xffff  }
0x1c9: {  	v59 =	vor.u32 s25, v1;
	v31 =	vor.u32 $0x400, v33;
	v48 =	vor.u32 $0x200, v43;
	v44 =	vld.idx.msk [tilespmem:v60+s2+$0x0], $0xffff  }
0x1ca: {  	v61 =	vor.u32 $0x400, v39;
	v13 =	vmul.f32 v35, v46;
	(erf) = vrcp.f32 v18;
	v36 =	vld.idx.msk [tilespmem:v36+s2+$0x0], $0xffff  }
0x1cb: {  	v58 =	vld.idx.msk [tilespmem:v26+s20+$0x0], $0xffff;
	(erf) = vrcp.f32 v19;
	v14 =	vadd.f32 v40, v14;
	vm14 =	vge.f32 v15, v41  }
0x1cc: {  	v19 =	vld.idx.msk [tilespmem:v28+s19+$0x0], $0xffff;
	v33 =	vsel vm14, v31, v33;
	v31 =	vmul.f32 v20, v55;
	v55 =	vor.u32 s4, v1  }
0x1cd: {  	v25 =	vadd.s32 v53, v56;
	v46 =	vmul.f32 v21, v38;
	v18 =	vld.idx.msk [tilespmem:v26+s19+$0x0], $0xffff;
	v14 =	vmul.f32 v14, v51  }
0x1ce: {  	s11 =	simm.s32 $0xD0;
	v30 =	vadd.f32 v50, v30;
	v13 =	vadd.f32 $1.000000000e+00, v13;
	v52 =	vld.idx.msk [tilespmem:v48+s2+$0x0], $0xffff;
	vm15 =	vge.f32 v7, v44;
	v53 =	vpop (erf)  }
0x1cf: {  	s17 =	sand.u32 $0x1D0, s11;
	s11 =	simm.s32 $0x118E0;
	vm5 =	vge.f32 v5, v36;
	v36 =	vsel vm15, v61, v39;
	v61 =	vld.idx.msk [tilespmem:v28+s20+$0x0], $0xffff;
	v14 =	vmul.f32 v53, v14  }
0x1d0: {  	v27 =	vadd.f32 v27, v46;
	v56 =	vadd.f32 v62, v31;
	(erf) = vrcp.f32 v13;
	v13 =	vld [tilespmem:s11+$0x10]  }
0x1d1: {  	s13 =	simm.s32 $0xE0;
	v63 =	vor.u32 $0x400, v37;
	v11 =	vsub.f32 v11, v19;
	v60 =	vld.idx.msk [tilespmem:v55+s2+$0x0], $0xffff;
	v31 =	vadd.f32 v14, v22  }
0x1d2: {  	s18 =	sand.u32 $0x1E0, s13;
	v14 =	vmul.f32 v27, v21;
	v21 =	vld.idx.msk [tilespmem:v33+s2+$0x0], $0xffff;
	v22 =	vmul.f32 v56, v20;
	v20 =	vor.u32 s17, v1  }
0x1d3: {  	v49 =	vor.u32 $0x400, v43;
	v50 =	vld.idx.msk [tilespmem:v26+s23+$0x0], $0xffff;
	v23 =	vmul.f32 v30, v23;
	v27 =	vor.u32 s18, v1  }
0x1d4: {  	v30 =	vld.idx.msk [tilespmem:v29+s19+$0x0], $0xffff;
	v48 =	vsel vm7, $0x200, v4;
	v12 =	vsub.f32 v12, v18;
	v19 =	vmul.f32 v61, v11  }
0x1d5: {  	v62 =	vsel vm6, $0x0, v3;
	v37 =	vsel vm5, v63, v37;
	v63 =	vld.idx.msk [tilespmem:v29+s20+$0x0], $0xffff;
	vm4 =	vge.f32 v6, v52  }
0x1d6: {  	v39 =	vadd.s32 $0x200, v36;
	v52 =	vld.idx.msk [tilespmem:v59+s2+$0x0], $0xffff;
	vm9 =	vge.f32 v13, v60;
	v38 =	vsub.f32 $1.000000000e+00, v19  }
0x1d7: {  	vm8 =	vge.f32 v15, v21;
	v21 =	vadd.s32 $0x200, v33;
	v51 =	vld.idx.msk [tilespmem:v20+s2+$0x0], $0xffff;
	v20 =	vmul.f32 v58, v12  }
0x1d8: {  	v27 =	vld.idx.msk [tilespmem:v27+s2+$0x0], $0xffff;
	v11 =	vsel vm9, v2, v0;
	v18 =	vsel vm8, v21, v33;
	v21 =	vadd.s32 v62, v48  }
0x1d9: {  	v12 =	vpop (erf);
	v35 =	vor.u32 s4, v11;
	v11 =	vld [tilespmem:s11+$0xFFFFFFF0];
	v42 =	vadd.s32 v18, v21;
	v18 =	vsub.f32 v10, v30  }
0x1da: {  	v33 =	vsel vm4, v49, v43;
	v23 =	vmul.f32 v12, v23;
	v12 =	vld [tilespmem:s11+$0x0];
	v53 =	vsub.f32 $1.000000000e+00, v20  }
0x1db: {  	v38 =	vmul.f32 v38, v19;
	v30 =	vadd.s32 $0x200, v37;
	v10 =	vld [tilespmem:s11+$0xFFFFFFE0];
	v18 =	vmul.f32 v63, v18  }
0x1dc: {  	v9 =	vld.idx.msk [tilespmem:v9+s24+$0x0], $0xffff;
	v54 =	vor.u32 $0x600, v35;
	v46 =	vadd.s32 $0x200, v33;
	v21 =	vpop (erf);
	v34 =	vmul.f32 v53, v20  }
0x1dd: {  	v47 =	vadd.f32 v23, v57;
	v23 =	vld.idx.msk [tilespmem:v36+s2+$0x0], $0xffff;
	v55 =	vpop (erf);
	v21 =	vmul.f32 v21, v14;
	v56 =	vsub.f32 $1.000000000e+00, v18  }
0x1de: {  	v14 =	vmul.f32 v55, v22;
	v44 =	vmul.f32 v34, v50;
	vm11 =	vge.f32 v11, v51;
	v22 =	vld.idx.msk [tilespmem:v42+s19+$0x0], $0xffff  }
0x1df: {  	vm2 =	vlt.f32 v11, $-5.000000000e+00;
	v41 =	vld.idx.msk [tilespmem:v33+s2+$0x0], $0xffff;
	vm12 =	vge.f32 v12, v27;
	vm14 =	vgt.f32 v11, $5.000000000e+00  }
0x1e0: {  	vm15 =	vlt.f32 v12, $-5.000000000e+00;
	vm9 =	vgt.f32 v12, $5.000000000e+00;
	vm10 =	vge.f32 v10, v52;
	v58 =	vld.idx.msk [tilespmem:v42+s20+$0x0], $0xffff  }
0x1e1: {  	v27 =	vld.idx.msk [tilespmem:v37+s2+$0x0], $0xffff;
	vm1 =	vlt.f32 v10, $-5.000000000e+00;
	vm0 =	vgt.f32 v10, $5.000000000e+00;
	v62 =	vsel vm11, v2, v0  }
0x1e2: {  	v50 =	vld.idx.msk [tilespmem:v28+s23+$0x0], $0xffff;
	v59 =	vsel vm12, v2, v0;
	v43 =	vmul.f32 v56, v18;
	v61 =	vsel vm10, v2, v0  }
0x1e3: {  	v40 =	vld.idx.msk [tilespmem:v54+s2+$0x0], $0xffff;
	v45 =	vor.u32 s17, v62;
	v49 =	vor.u32 s18, v59;
	v15 =	vsub.f32 v15, v22  }
0x1e4: {  	v51 =	vld.idx.msk [tilespmem:v28+s21+$0x0], $0xffff;
	vm10 =	vge.f32 v7, v23;
	v34 =	vor.u32 s25, v61;
	v22 =	vor.u32 $0x600, v49  }
0x1e5: {  	v54 =	vld.idx.msk [tilespmem:v29+s23+$0x0], $0xffff;
	v60 =	vor.u32 $0x600, v45;
	v52 =	vor.u32 $0x800, v45;
	v56 =	vmul.f32 v58, v15  }
0x1e6: {  	v53 =	vor.u32 $0x800, v49;
	v61 =	vld.idx.msk [tilespmem:v42+s23+$0x0], $0xffff;
	v39 =	vsel vm10, v39, v36;
	v63 =	vor.u32 $0x600, v34  }
0x1e7: {  	v59 =	vld.idx.msk [tilespmem:v29+s21+$0x0], $0xffff;
	v36 =	vsel vm15, $0x0, v3;
	vm8 =	vge.f32 v5, v27;
	v27 =	vsub.f32 $1.000000000e+00, v56  }
0x1e8: {  	v32 =	vor.u32 $0x800, v34;
	vm13 =	vge.f32 v13, v40;
	v40 =	vld.idx.msk [tilespmem:v26+s21+$0x0], $0xffff;
	v15 =	vor.u32 $0x800, v35  }
0x1e9: {  	v17 =	vadd.s32 v39, v17;
	v57 =	vsel vm13, v15, v35;
	v35 =	vld.idx.msk [tilespmem:v22+s2+$0x0], $0xffff;
	v22 =	vmul.f32 v27, v56  }
0x1ea: {  	vm11 =	vge.f32 v6, v41;
	v41 =	vsel vm14, $0x200, v4;
	v38 =	vmul.f32 v38, v50;
	v23 =	vld.idx.msk [tilespmem:v60+s2+$0x0], $0xffff  }
0x1eb: {  	v48 =	vsel vm8, v30, v37;
	v30 =	vsel vm1, $0x0, v3;
	v15 =	vld.idx.msk [tilespmem:v63+s2+$0x0], $0xffff;
	v55 =	vmul.f32 v22, v61  }
0x1ec: {  	v62 =	vld.idx.msk [tilespmem:v42+s22+$0x0], $0xffff;
	v37 =	vsel vm2, $0x0, v3;
	v58 =	vor.u32 $0x200, v57;
	v27 =	vsel vm0, $0x200, v4  }
0x1ed: {  	v43 =	vmul.f32 v43, v54;
	v60 =	vld.idx.msk [tilespmem:v26+s22+$0x0], $0xffff;
	v22 =	vadd.s32 v30, v27;
	v27 =	vadd.f32 $1.000000000e+00, v55  }
0x1ee: {  	s13 =	simm.s32 $0x15820;
	v46 =	vsel vm11, v46, v33;
	v16 =	vadd.s32 v48, v16;
	v54 =	vmul.f32 v20, v40;
	v61 =	vld.idx.msk [tilespmem:v42+s21+$0x0], $0xffff  }
0x1ef: {  	[tilespmem:s13+$0x10] =	vst v24;
	v26 =	vld.idx.msk [tilespmem:v26+s24+$0x0], $0xffff;
	v43 =	vadd.f32 $1.000000000e+00, v43;
	v40 =	vmul.f32 v18, v59;
	(erf) = vrcp.f32 v27  }
0x1f0: {  	v24 =	vld.idx.msk [tilespmem:v17+s19+$0x0], $0xffff;
	vm13 =	vge.f32 v11, v23;
	v23 =	vadd.s32 v37, v41;
	vm12 =	vge.f32 v10, v15  }
0x1f1: {  	s14 =	simm.s32 $0x15860;
	v30 =	vsel vm12, v32, v34;
	v32 =	vsel vm13, v52, v45;
	v63 =	vld.idx.msk [tilespmem:v58+s2+$0x0], $0xffff;
	vm14 =	vge.f32 v12, v35  }
0x1f2: {  	[tilespmem:s14+$0x10] =	vst v31;
	v31 =	vadd.f32 v60, v54;
	v34 =	vld.idx.msk [tilespmem:v29+s22+$0x0], $0xffff;
	v52 =	vor.u32 $0x200, v32;
	v33 =	vsel vm14, v53, v49  }
0x1f3: {  	v15 =	vsel vm9, $0x200, v4;
	v55 =	vld.idx.msk [tilespmem:v28+s22+$0x0], $0xffff;
	v53 =	vor.u32 $0x200, v33;
	v48 =	vmul.f32 v56, v61  }
0x1f4: {  	v58 =	vmul.f32 v19, v51;
	v45 =	vor.u32 $0x200, v30;
	v37 =	vor.u32 $0x400, v32;
	v28 =	vld.idx.msk [tilespmem:v28+s24+$0x0], $0xffff  }
0x1f5: {  	v27 =	vadd.s32 v36, v15;
	v15 =	vadd.s32 v46, v25;
	v25 =	vld.idx.msk [tilespmem:v29+s24+$0x0], $0xffff;
	v39 =	vadd.f32 v62, v48  }
0x1f6: {  	v46 =	vadd.f32 $1.000000000e+00, v44;
	v29 =	vld.idx.msk [tilespmem:v42+s24+$0x0], $0xffff;
	v61 =	vor.u32 $0x400, v57;
	vm15 =	vge.f32 v13, v63  }
0x1f7: {  	v42 =	vld.idx.msk [tilespmem:v52+s2+$0x0], $0xffff;
	v62 =	vadd.f32 $1.000000000e+00, v38;
	v38 =	vsel vm15, v61, v57;
	v39 =	vmul.f32 v39, v56  }
0x1f8: {  	v35 =	vor.u32 $0x400, v30;
	v36 =	vor.u32 $0x400, v33;
	(erf) = vrcp.f32 v46;
	v44 =	vld.idx.msk [tilespmem:v53+s2+$0x0], $0xffff;
	v63 =	vpop (erf)  }
0x1f9: {  	s12 =	simm.s32 $0x100;
	s10 =	simm.s32 $0x15860;
	[tilespmem:s13+$0xFFFFFFF0] =	vst v47;
	s17 =	simm.s32 $0xC;
	v45 =	vld.idx.msk [tilespmem:v45+s2+$0x0], $0xffff;
	(erf) = vrcp.f32 v62;
	v41 =	vmul.f32 v63, v39;
	v39 =	vadd.f32 v55, v58  }
.LBB2_9:
0x1fa: {  	s3 =	sadd.s32 $0x10, s12;
	s4 =	sadd.s32 $0x30, s12;
	s17 =	sadd.s32 $0x4, s17;
	v46 =	vld.idx.msk [tilespmem:v15+s19+$0x0], $0xffff;
	v34 =	vadd.f32 v34, v40;
	v40 =	vmul.f32 v31, v20;
	(erf) = vrcp.f32 v43  }
0x1fb: {  	s25 =	sadd.s32 $0x20, s12;
	s18 =	sand.u32 $0x1F0, s4;
	p0 =	slt.u32 s17, $0x1FC;
	v20 =	vld.idx.msk [tilespmem:v16+s19+$0x0], $0xffff;
	v29 =	vadd.f32 v41, v29;
	v39 =	vmul.f32 v39, v19;
	v19 =	vadd.f32 v21, v9  }
0x1fc: {  	s14 =	sadd.s32 $0x40, s14;
	s4 =	sand.u32 $0x1D0, s3;
	s3 =	sand.u32 $0x1E0, s25;
	vm0 =	vge.f32 v11, v42;
	v9 =	vmovc v28;
	v21 =	vor.u32 s18, v1;
	v41 =	vld.idx.msk [tilespmem:v38+s2+$0x0], $0xffff;
	v34 =	vmul.f32 v34, v18  }
0x1fd: {  	s25 =	sand.u32 $0x1C0, s12;
	v18 =	vor.u32 s4, v1;
	v42 =	vor.u32 s3, v1;
	vm1 =	vge.f32 v12, v44;
	v43 =	vld.idx.msk [tilespmem:v17+s20+$0x0], $0xffff;
	[tilespmem:s14+$0x10] =	vst v29  }
0x1fe: {  	v44 =	vor.u32 s25, v1;
	v28 =	vsel vm0, v37, v32;
	vm2 =	vge.f32 v10, v45;
	v37 =	vld.idx.msk [tilespmem:v15+s20+$0x0], $0xffff;
	[tilespmem:s13+$0x0] =	vst v19  }
0x1ff: {  	v31 =	vsel vm1, v36, v33;
	v29 =	vsel vm2, v35, v30;
	v30 =	vadd.s32 $0x200, v28;
	v35 =	vld.idx.msk [tilespmem:v16+s20+$0x0], $0xffff  }
0x200: {  	vm0 =	vlt.f32 v13, $-5.000000000e+00;
	v32 =	vadd.s32 $0x200, v31;
	v33 =	vadd.s32 $0x200, v29;
	v36 =	vld.idx.msk [tilespmem:v17+s23+$0x0], $0xffff  }
0x201: {  	s11 =	sadd.s32 $0x40, s11;
	v19 =	vsel vm0, $0x0, v3;
	vm0 =	vgt.f32 v13, $5.000000000e+00;
	v7 =	vsub.f32 v7, v24;
	v45 =	vld.idx.msk [tilespmem:v21+s2+$0x0], $0xffff;
	v21 =	vpop (erf)  }
0x202: {  	v24 =	vadd.s32 $0x200, v38;
	vm1 =	vge.f32 v13, v41;
	v41 =	vsel vm0, $0x200, v4;
	v47 =	vld [tilespmem:s11+$0x10];
	v48 =	vpop (erf)  }
0x203: {  	v6 =	vsub.f32 v6, v46;
	v19 =	vadd.s32 v19, v41;
	v49 =	vld.idx.msk [tilespmem:v18+s2+$0x0], $0xffff;
	v18 =	vsel vm1, v24, v38;
	v38 =	vpop (erf)  }
0x204: {  	v46 =	vsub.f32 v5, v20;
	v20 =	vmul.f32 v43, v7;
	v41 =	vld.idx.msk [tilespmem:v42+s2+$0x0], $0xffff;
	v24 =	vadd.s32 v18, v19  }
0x205: {  	v19 =	vmul.f32 v37, v6;
	v37 =	vmul.f32 v21, v40;
	v40 =	vadd.f32 v14, v8;
	v42 =	vld.idx.msk [tilespmem:v44+s2+$0x0], $0xffff  }
0x206: {  	v5 =	vmovc v10;
	v7 =	vmovc v11;
	v18 =	vmul.f32 v35, v46;
	v43 =	vsub.f32 $1.000000000e+00, v20;
	v21 =	vmul.f32 v48, v39;
	v10 =	vld [tilespmem:s11+$0xFFFFFFE0]  }
0x207: {  	v14 =	vmul.f32 v38, v34;
	v6 =	vmovc v12;
	v35 =	vsub.f32 $1.000000000e+00, v19;
	v11 =	vld [tilespmem:s11+$0xFFFFFFF0];
	vm0 =	vge.f32 v47, v45;
	[tilespmem:s13+$0xFFFFFFE0] =	vst v40;
	s13 =	smov.u32 s10;
	s10 =	smov.u32 s14  }
0x208: {  	v8 =	vmovc v25;
	v38 =	vsub.f32 $1.000000000e+00, v18;
	v39 =	vmul.f32 v43, v20;
	v12 =	vld [tilespmem:s11+$0x0];
	v34 =	vsel vm0, v2, v0  }
0x209: {  	v26 =	vadd.f32 v37, v26;
	v40 =	vmul.f32 v35, v19;
	v25 =	vor.u32 s18, v34;
	v34 =	vld.idx.msk [tilespmem:v24+s19+$0x0], $0xffff  }
0x20a: {  	v38 =	vmul.f32 v38, v18;
	v39 =	vmul.f32 v39, v36;
	v35 =	vor.u32 $0x600, v25;
	v37 =	vld.idx.msk [tilespmem:v28+s2+$0x0], $0xffff  }
0x20b: {  	vm2 =	vge.f32 v10, v42;
	vm0 =	vlt.f32 v10, $-5.000000000e+00;
	vm1 =	vgt.f32 v10, $5.000000000e+00;
	v36 =	vld.idx.msk [tilespmem:v24+s20+$0x0], $0xffff;
	[tilespmem:s13+$0xFFFFFFF0] =	vst v26  }
0x20c: {  	v26 =	vsel vm2, v2, v0;
	vm3 =	vge.f32 v11, v49;
	vm2 =	vlt.f32 v11, $-5.000000000e+00;
	v42 =	vld.idx.msk [tilespmem:v31+s2+$0x0], $0xffff  }
0x20d: {  	v26 =	vor.u32 s25, v26;
	v43 =	vsel vm3, v2, v0;
	vm3 =	vge.f32 v12, v41;
	v41 =	vld.idx.msk [tilespmem:v29+s2+$0x0], $0xffff  }
0x20e: {  	v44 =	vor.u32 $0x600, v26;
	v43 =	vor.u32 s4, v43;
	v45 =	vsel vm3, v2, v0;
	v46 =	vld.idx.msk [tilespmem:v15+s23+$0x0], $0xffff  }
0x20f: {  	v34 =	vsub.f32 v13, v34;
	v13 =	vmovc v47;
	v48 =	vor.u32 $0x600, v43;
	v45 =	vor.u32 s3, v45;
	v35 =	vld.idx.msk [tilespmem:v35+s2+$0x0], $0xffff  }
0x210: {  	v47 =	vor.u32 $0x800, v43;
	v49 =	vor.u32 $0x600, v45;
	v50 =	vor.u32 $0x800, v45;
	v51 =	vld.idx.msk [tilespmem:v16+s23+$0x0], $0xffff  }
0x211: {  	v52 =	vor.u32 $0x800, v26;
	vm3 =	vgt.f32 v11, $5.000000000e+00;
	v54 =	vmul.f32 v36, v34;
	v53 =	vld.idx.msk [tilespmem:v24+s23+$0x0], $0xffff  }
0x212: {  	vm4 =	vlt.f32 v12, $-5.000000000e+00;
	vm5 =	vgt.f32 v12, $5.000000000e+00;
	vm6 =	vge.f32 v7, v37;
	v55 =	vld.idx.msk [tilespmem:v17+s21+$0x0], $0xffff  }
0x213: {  	vm8 =	vge.f32 v6, v42;
	vm7 =	vge.f32 v5, v41;
	v36 =	vsub.f32 $1.000000000e+00, v54;
	v34 =	vld.idx.msk [tilespmem:v44+s2+$0x0], $0xffff  }
0x214: {  	v37 =	vsel vm0, $0x0, v3;
	v41 =	vsel vm1, $0x200, v4;
	v44 =	vsel vm2, $0x0, v3;
	v42 =	vld.idx.msk [tilespmem:v48+s2+$0x0], $0xffff  }
0x215: {  	vm0 =	vge.f32 v13, v35;
	v35 =	vor.u32 $0x800, v25;
	v36 =	vmul.f32 v36, v54;
	v48 =	vld.idx.msk [tilespmem:v49+s2+$0x0], $0xffff  }
0x216: {  	v56 =	vsel vm4, $0x0, v3;
	v49 =	vsel vm3, $0x200, v4;
	v57 =	vsel vm0, v35, v25;
	v58 =	vld.idx.msk [tilespmem:v15+s21+$0x0], $0xffff  }
0x217: {  	v25 =	vsel vm5, $0x200, v4;
	v35 =	vor.u32 $0x200, v57;
	v36 =	vmul.f32 v36, v53;
	v53 =	vld.idx.msk [tilespmem:v16+s21+$0x0], $0xffff  }
0x218: {  	v28 =	vsel vm6, v30, v28;
	v31 =	vsel vm8, v32, v31;
	v29 =	vsel vm7, v33, v29;
	v59 =	vld.idx.msk [tilespmem:v17+s22+$0x0], $0xffff  }
0x219: {  	v41 =	vadd.s32 v37, v41;
	vm0 =	vge.f32 v10, v34;
	v33 =	vadd.f32 $1.000000000e+00, v36;
	v60 =	vld.idx.msk [tilespmem:v24+s21+$0x0], $0xffff  }
0x21a: {  	v30 =	vsel vm0, v52, v26;
	vm0 =	vge.f32 v11, v42;
	v42 =	vadd.s32 v44, v49;
	v49 =	vld.idx.msk [tilespmem:v15+s22+$0x0], $0xffff  }
0x21b: {  	v32 =	vsel vm0, v47, v43;
	vm0 =	vge.f32 v12, v48;
	v43 =	vld.idx.msk [tilespmem:v24+s22+$0x0], $0xffff;
	(erf) = vrcp.f32 v33  }
0x21c: {  	v47 =	vor.u32 $0x200, v30;
	v44 =	vor.u32 $0x200, v32;
	v33 =	vsel vm0, v50, v45;
	v45 =	vld.idx.msk [tilespmem:v35+s2+$0x0], $0xffff  }
0x21d: {  	v37 =	vor.u32 $0x400, v32;
	v48 =	vor.u32 $0x200, v33;
	v36 =	vor.u32 $0x400, v33;
	v34 =	vld.idx.msk [tilespmem:v16+s22+$0x0], $0xffff  }
0x21e: {  	v50 =	vadd.s32 v56, v25;
	v35 =	vor.u32 $0x400, v30;
	v26 =	vld.idx.msk [tilespmem:v17+s24+$0x0], $0xffff;
	v17 =	vadd.s32 v28, v23;
	v23 =	vmovc v42  }
0x21f: {  	v52 =	vadd.s32 v29, v22;
	v42 =	vmul.f32 v54, v60;
	v28 =	vld.idx.msk [tilespmem:v15+s24+$0x0], $0xffff;
	v15 =	vadd.s32 v31, v27  }
0x220: {  	v39 =	vadd.f32 $1.000000000e+00, v39;
	v40 =	vmul.f32 v40, v46;
	v22 =	vmovc v41;
	v31 =	vmul.f32 v38, v51;
	v25 =	vld.idx.msk [tilespmem:v16+s24+$0x0], $0xffff  }
.Ltmp6:
0x221: {  	v41 =	vmul.f32 v20, v55;
	v46 =	vmul.f32 v19, v58;
	v29 =	vld.idx.msk [tilespmem:v24+s24+$0x0], $0xffff;
	v24 =	vadd.f32 v43, v42;
	(pc) =	sbr.rel @p0 .LBB2_9-.Ltmp6, $4  }
0x222: {  	v38 =	vor.u32 $0x400, v57;
	v51 =	vadd.f32 $1.000000000e+00, v40;
	v27 =	vmovc v50;
	v16 =	vmovc v52;
	vm0 =	vge.f32 v13, v45;
	v42 =	vld.idx.msk [tilespmem:v44+s2+$0x0], $0xffff  }
0x223: {  	v43 =	vadd.f32 $1.000000000e+00, v31;
	v38 =	vsel vm0, v38, v57;
	v44 =	vld.idx.msk [tilespmem:v48+s2+$0x0], $0xffff;
	v48 =	vmul.f32 v24, v54  }
0x224: {  	v40 =	vmul.f32 v18, v53;
	v31 =	vadd.f32 v59, v41;
	v45 =	vld.idx.msk [tilespmem:v47+s2+$0x0], $0xffff;
	v47 =	vpop (erf);
	(erf) = vrcp.f32 v39  }
0x225: {  	s12 =	sadd.s32 $0x40, s12;
	v39 =	vadd.f32 v49, v46;
	v24 =	vld.idx.msk [tilespmem:v17+s19+$0x0], $0xffff;
	v41 =	vmul.f32 v47, v48;
	(erf) = vrcp.f32 v51  }
0x226: {  	_ =	sdelay $0x3  }
0x227: {  	v46 =	vld.idx.msk [tilespmem:v38+s2+$0x0], $0xffff  }
0x228: {  	vm0 =	vge.f32 v11, v42  }
0x229: {  	vm10 =	vlt.f32 v13, $-5.000000000e+00;
	v53 =	vld.idx.msk [tilespmem:v16+s20+$0x0], $0xffff;
	v32 =	vsel vm0, v37, v32  }
0x22a: {  	vm11 =	vgt.f32 v13, $5.000000000e+00;
	v60 =	vadd.s32 $0x200, v38;
	v50 =	vld.idx.msk [tilespmem:v17+s23+$0x0], $0xffff;
	vm1 =	vge.f32 v12, v44  }
0x22b: {  	v59 =	vsel vm10, $0x0, v3;
	v42 =	vld.idx.msk [tilespmem:v16+s19+$0x0], $0xffff;
	vm2 =	vge.f32 v10, v45;
	v33 =	vsel vm1, v36, v33  }
0x22c: {  	v61 =	vsel vm11, $0x200, v4;
	v37 =	vld.idx.msk [tilespmem:v15+s19+$0x0], $0xffff;
	v30 =	vsel vm2, v35, v30;
	vm12 =	vge.f32 v13, v46  }
0x22d: {  	v44 =	vld.idx.msk [tilespmem:v16+s21+$0x0], $0xffff;
	v36 =	vadd.s32 v59, v61;
	v62 =	vsel vm12, v60, v38  }
0x22e: {  	v35 =	vadd.s32 v62, v36;
	v63 =	vld.idx.msk [tilespmem:v32+s2+$0x0], $0xffff  }
0x22f: {  	v46 =	vld.idx.msk [tilespmem:v17+s20+$0x0], $0xffff  }
0x230: {  	v52 =	vld.idx.msk [tilespmem:v33+s2+$0x0], $0xffff  }
0x231: {  	v47 =	vld.idx.msk [tilespmem:v30+s2+$0x0], $0xffff  }
0x232: {  	v38 =	vld.idx.msk [tilespmem:v15+s20+$0x0], $0xffff  }
0x233: {  	(erf) = vrcp.f32 v43;
	v49 =	vadd.s32 $0x200, v32;
	v48 =	vld.idx.msk [tilespmem:v35+s19+$0x0], $0xffff;
	vm13 =	vge.f32 v11, v63  }
0x234: {  	v54 =	vadd.s32 $0x200, v33;
	v60 =	vadd.f32 v34, v40;
	v40 =	vld.idx.msk [tilespmem:v15+s21+$0x0], $0xffff;
	v32 =	vsel vm13, v49, v32  }
0x235: {  	v5 =	vsub.f32 v5, v42;
	v42 =	vld.idx.msk [tilespmem:v17+s22+$0x0], $0xffff;
	vm14 =	vge.f32 v12, v52;
	v23 =	vadd.s32 v32, v23  }
0x236: {  	v56 =	vadd.s32 $0x200, v30;
	v55 =	vld.idx.msk [tilespmem:v35+s20+$0x0], $0xffff;
	v33 =	vsel vm14, v54, v33;
	vm15 =	vge.f32 v10, v47  }
0x237: {  	v7 =	vsub.f32 v7, v24;
	v36 =	vld.idx.msk [tilespmem:v15+s23+$0x0], $0xffff;
	v58 =	vsel vm15, v56, v30;
	v27 =	vadd.s32 v33, v27  }
0x238: {  	v59 =	vld.idx.msk [tilespmem:v35+s23+$0x0], $0xffff;
	v57 =	vsub.f32 v13, v48;
	v13 =	vadd.s32 v58, v22  }
0x239: {  	v6 =	vsub.f32 v6, v37;
	v7 =	vmul.f32 v46, v7;
	v24 =	vld.idx.msk [tilespmem:v35+s21+$0x0], $0xffff  }
0x23a: {  	v20 =	vmul.f32 v31, v20;
	v9 =	vadd.f32 v21, v9;
	v19 =	vmul.f32 v39, v19;
	v62 =	vld.idx.msk [tilespmem:v23+s19+$0x0], $0xffff  }
0x23b: {  	v6 =	vmul.f32 v38, v6;
	v51 =	vsub.f32 $1.000000000e+00, v7;
	v34 =	vmul.f32 v55, v57;
	v52 =	vld.idx.msk [tilespmem:v23+s20+$0x0], $0xffff  }
0x23c: {  	v8 =	vadd.f32 v14, v8;
	v18 =	vmul.f32 v60, v18;
	v5 =	vmul.f32 v53, v5;
	v47 =	vpop (erf);
	v63 =	vld.idx.msk [tilespmem:v27+s19+$0x0], $0xffff  }
0x23d: {  	v54 =	vsub.f32 $1.000000000e+00, v6;
	v21 =	vmul.f32 v51, v7;
	v49 =	vpop (erf);
	v61 =	vsub.f32 $1.000000000e+00, v34;
	v48 =	vld.idx.msk [tilespmem:v13+s19+$0x0], $0xffff  }
0x23e: {  	v29 =	vadd.f32 v41, v29;
	v20 =	vmul.f32 v47, v20;
	v19 =	vmul.f32 v49, v19;
	v55 =	vld.idx.msk [tilespmem:v27+s20+$0x0], $0xffff  }
0x23f: {  	v56 =	vsub.f32 $1.000000000e+00, v5;
	v39 =	vmul.f32 v54, v6;
	v57 =	vld.idx.msk [tilespmem:v13+s20+$0x0], $0xffff;
	v31 =	vmul.f32 v61, v34  }
0x240: {  	v32 =	vld.idx.msk [tilespmem:v16+s23+$0x0], $0xffff;
	v53 =	vpop (erf);
	v21 =	vmul.f32 v21, v50;
	v54 =	vmul.f32 v6, v40;
	v58 =	vsub.f32 v11, v62  }
0x241: {  	v51 =	vld.idx.msk [tilespmem:v15+s22+$0x0], $0xffff;
	v18 =	vmul.f32 v53, v18;
	v30 =	vmul.f32 v31, v59;
	v60 =	vsub.f32 v12, v63  }
0x242: {  	v22 =	vld.idx.msk [tilespmem:v17+s21+$0x0], $0xffff;
	v21 =	vadd.f32 $1.000000000e+00, v21;
	v11 =	vmul.f32 v52, v58;
	v62 =	vsub.f32 v10, v48  }
0x243: {  	v36 =	vmul.f32 v39, v36;
	v45 =	vld.idx.msk [tilespmem:v23+s23+$0x0], $0xffff;
	v30 =	vadd.f32 $1.000000000e+00, v30;
	v12 =	vmul.f32 v55, v60  }
0x244: {  	v59 =	vmul.f32 v56, v5;
	v48 =	vld.idx.msk [tilespmem:v27+s23+$0x0], $0xffff;
	v47 =	vsub.f32 $1.000000000e+00, v11;
	v10 =	vmul.f32 v57, v62  }
0x245: {  	v50 =	vld.idx.msk [tilespmem:v13+s23+$0x0], $0xffff;
	v63 =	vmul.f32 v34, v24;
	(erf) = vrcp.f32 v30;
	v49 =	vsub.f32 $1.000000000e+00, v12  }
0x246: {  	v61 =	vld.idx.msk [tilespmem:v35+s22+$0x0], $0xffff;
	v46 =	vmul.f32 v59, v32;
	v31 =	vmul.f32 v47, v11;
	v52 =	vsub.f32 $1.000000000e+00, v10  }
0x247: {  	v53 =	vld.idx.msk [tilespmem:v16+s22+$0x0], $0xffff;
	v40 =	vadd.f32 v20, v26;
	(erf) = vrcp.f32 v21;
	v37 =	vmul.f32 v49, v12  }
0x248: {  	v17 =	vld.idx.msk [tilespmem:v17+s24+$0x0], $0xffff;
	v36 =	vadd.f32 $1.000000000e+00, v36;
	v24 =	vmul.f32 v31, v45;
	v55 =	vmul.f32 v52, v10  }
0x249: {  	v41 =	vld.idx.msk [tilespmem:v23+s22+$0x0], $0xffff;
	v22 =	vmul.f32 v7, v22;
	v30 =	vadd.f32 $1.000000000e+00, v46;
	v57 =	vmul.f32 v37, v48  }
0x24a: {  	v58 =	vld.idx.msk [tilespmem:v23+s21+$0x0], $0xffff;
	(erf) = vrcp.f32 v36;
	v24 =	vadd.f32 $1.000000000e+00, v24;
	v59 =	vmul.f32 v55, v50  }
0x24b: {  	[tilespmem:s13+$0x0] =	vst v9;
	v60 =	vld.idx.msk [tilespmem:v27+s21+$0x0], $0xffff;
	v14 =	vadd.f32 v61, v63;
	(erf) = vrcp.f32 v30;
	v21 =	vadd.f32 $1.000000000e+00, v57  }
0x24c: {  	s3 =	sadd.s32 $0x40, s14;
	[tilespmem:s13+$0xFFFFFFE0] =	vst v8;
	v56 =	vld.idx.msk [tilespmem:v35+s24+$0x0], $0xffff;
	v62 =	vmul.f32 v5, v44;
	(erf) = vrcp.f32 v24;
	v35 =	vadd.f32 $1.000000000e+00, v59  }
0x24d: {  	[tilespmem:s3+$0x10] =	vst v29;
	v63 =	vld.idx.msk [tilespmem:v13+s21+$0x0], $0xffff;
	v44 =	vadd.f32 v42, v22;
	v14 =	vmul.f32 v14, v34;
	(erf) = vrcp.f32 v21  }
0x24e: {  	[tilespmem:s10+$0xFFFFFFF0] =	vst v40;
	v18 =	vadd.f32 v18, v25;
	v46 =	vld.idx.msk [tilespmem:v27+s22+$0x0], $0xffff;
	v61 =	vpop (erf);
	(erf) = vrcp.f32 v35  }
0x24f: {  	v7 =	vmul.f32 v44, v7;
	v45 =	vadd.f32 v51, v54;
	v48 =	vld.idx.msk [tilespmem:v13+s22+$0x0], $0xffff;
	v14 =	vmul.f32 v61, v14  }
0x250: {  	v47 =	vadd.f32 v53, v62;
	v49 =	vld.idx.msk [tilespmem:v15+s24+$0x0], $0xffff;
	v51 =	vmul.f32 v11, v58;
	v53 =	vmul.f32 v12, v60;
	v54 =	vpop (erf)  }
0x251: {  	v58 =	vld.idx.msk [tilespmem:v23+s24+$0x0], $0xffff;
	v6 =	vmul.f32 v45, v6;
	v7 =	vmul.f32 v54, v7;
	v14 =	vadd.f32 v14, v56  }
0x252: {  	s4 =	sadd.s32 $0x40, s3;
	v52 =	vld.idx.msk [tilespmem:v16+s24+$0x0], $0xffff;
	v50 =	vadd.f32 v19, v28;
	v55 =	vmul.f32 v10, v63;
	v56 =	vadd.f32 v41, v51  }
0x253: {  	v5 =	vmul.f32 v47, v5;
	v57 =	vpop (erf);
	v7 =	vadd.f32 v7, v17;
	[tilespmem:s4+$0x10] =	vst v14;
	v14 =	vadd.f32 v46, v53  }
0x254: {  	v60 =	vld.idx.msk [tilespmem:v27+s24+$0x0], $0xffff;
	v8 =	vadd.f32 v48, v55;
	v59 =	vpop (erf);
	v6 =	vmul.f32 v57, v6;
	v9 =	vmul.f32 v56, v11  }
0x255: {  	[tilespmem:s10+$0xFFFFFFE0] =	vst v18;
	v61 =	vld.idx.msk [tilespmem:v13+s24+$0x0], $0xffff;
	v5 =	vmul.f32 v59, v5;
	v12 =	vmul.f32 v14, v12;
	v62 =	vpop (erf)  }
0x256: {  	[tilespmem:s10+$0x0] =	vst v50;
	v8 =	vmul.f32 v8, v10;
	v6 =	vadd.f32 v6, v49;
	v63 =	vpop (erf);
	v9 =	vmul.f32 v62, v9  }
0x257: {  	[tilespmem:s3+$0xFFFFFFF0] =	vst v7;
	v5 =	vadd.f32 v5, v52;
	v10 =	vmul.f32 v63, v12;
	v7 =	vpop (erf)  }
0x258: {  	p0 =	seq.s32 s5, $0xF;
	[tilespmem:s3+$0x0] =	vst v6;
	v6 =	vmul.f32 v7, v8;
	v7 =	vadd.f32 v9, v58  }
.Ltmp7:
0x259: {  	[tilespmem:s3+$0xFFFFFFE0] =	vst v5;
	v5 =	vadd.f32 v10, v60;
	(pc) =	sbr.rel @p0 .LBB2_12-.Ltmp7, $4  }
0x25a: {  	[tilespmem:s4+$0xFFFFFFF0] =	vst v7;
	v6 =	vadd.f32 v6, v61  }
0x25b: {  	s25 =	sadd.s32 s9, s6;
	[tilespmem:s4+$0x0] =	vst v5  }
0x25c: {  	s3 =	sadd.s32 $0x400, s25;
	[tilespmem:s4+$0xFFFFFFE0] =	vst v6  }
0x25d: {  	[hbm4b:s3+s2] =	stream.linear.scatter [tilespmem:s0], [sflag:$0x4], $0x2000, $0x38;
	[tilespmem:$0x17800] =	vst v63  }
.Ltmp8:
0x25e: {  	(pc) =	sbr.rel .LBB2_2-.Ltmp8, $4  }
0x25f: {  	s3 =	sadd.s32 s8, s16  }
0x260: {  	s3 =	sshrl.u32 s3, $0x3  }
0x261: {  	s5 =	sadd.s32 $0x1, s5;
	s3 =	sadd.s32 s1, s3  }
0x262: {  	[tilespmem:s26], [sflag:$0x2] =	stream.linear.gather [hbm4b:s3+s2], $0x2000, $0x38;
	[tilespmem:$0x17800] =	vst v63  }
.LBB2_13:
0x263: {  	_ =	sfence.sel $0x180000  }
0x264: {  	[bflag:$0x0] =	sbarrier.arrive $0xFFFF  }
0x265: {  	_ =	strace $0x9000004A  }
0x266: {  	s0 =	stileid.u32;
	[bflag:$0x2] =	sbarrier.arrive $0xFFFF  }
0x267: {  	p0 =	sne.s32 s0, $0x0;
	s0 =	rddreg [dreg:$0x2]  }
0x268: {  	s0 =	sadd.s32 @!p0 $0x100000, s0  }
0x269: {  	[sflag:s0] =	ssyncadd.tile.s32 @!p0 $0x1;
	_ =	shalt  }
.Lfunc_end2:
_tile_overlayer_lowered:
.L_overlay_start_2:
0x26a: {  	(tag) =	ssettag $0x2  }
0x26b: {  	s0 =	rddreg [dreg:$0x0];
	s2 =	stileid.u32  }
0x26c: {  	s1 =	rddreg [dreg:$0x1];
	p0 =	sne.s32 s2, $0x0  }
0x26d: {  	s3 =	rddreg [dreg:$0x2];
	[bflag:$0x3] =	sbarrier.arrive $0xFFFF;
	s2 =	simm.s32 @!p0 $0x1C05  }
0x26e: {  	[timem:s3], [sflag:s2] =	dma.local @!p0 [hbm:s0], s1  }
0x26f: {  	s0 =	simm.s32 @!p0 $0x5  }
0x270: {  	_ =	swait.ge @!p0 [sflag:s0], s1  }
0x271: {  	s1 =	ssub.s32 @!p0 $0x0, s1;
	[sflag:s0] =	ssyncset.done @!p0 $0x0  }
0x272: {  	[sflag:s0] =	ssyncadd.s32 @!p0 s1  }
0x273: {  	[bflag:$0x3] =	sbarrier.arrive $0xFFFF  }
0x274: {  	_ =	shalt  }

// kernel: sparse-core-data-format-call.cloned.1.call-start
scs
called_computation_lowered:
.L_overlay_start_0:
0x0: {  	s2 =	sld [smem:$0x3FD9]  }
0x1: {  	s3 =	sld [smem:$0x3FFE];
	_ =	sdelay $0x1  }
0x2: {  	s1 =	srdreg.scid  }
0x3: {  	s0 =	sand.u32 $0x1, s1  }
0x4: {  	s19 =	sshll.u32 s0, $0xA;
	s2 =	sadd.s32 s3, s2  }
0x5: {  	s2 =	sadd.s32 s2, s19  }
0x6: {  	[smem:$0x3FC4] =	sst s2  }
0x7: {  	_ = 	snop  }
0x8: {  	s2 =	sld [smem:$0x3FC9]  }
0x9: {  	s20 =	sld [smem:$0x3FD0];
	(tm) =	ssettm $0x1  }
0xa: {  	s4 =	sld [smem:$0x3FFB];
	_ =	sdelay $0x3  }
0xb: {  	_ =	strace s4  }
0xc: {  	s4 =	sld [smem:$0x3FFC];
	_ =	sdelay $0x3  }
0xd: {  	_ =	strace s4  }
0xe: {  	s4 =	sld [smem:$0x3FFD];
	_ =	sdelay $0x3  }
0xf: {  	_ =	strace s4  }
0x10: {  	_ =	strace $0x8FFFFFFF  }
0x11: {  	s21 =	sld [smem:$0x3FDB];
	_ =	sdelay $0x1  }
0x12: {  	s5 =	simm.s32 $_scs_section_size  }
0x13: {  	s6 =	simm.s32 $_size__tile_overlayer_lowered;
	s7 =	simm.s32 $_tile_overlayer_lowered  }
0x14: {  	s24 =	simm.s32 $0x1BFF;
	s23 =	sshll.u32 s7, $0x1;
	s4 =	sadd.s32 s5, s21  }
0x15: {  	s8 =	simm.s32 $0x0;
	s22 =	sshll.u32 s6, $0x1;
	s6 =	sadd.s32 s23, s4  }
0x16: {  	[timem:s8], [sflag:s24] =	dma.local [hbm:s6], s22  }
0x17: {  	_ =	swait.ge [sflag:s24], s22  }
0x18: {  	s5 =	ssub.s32 $0x0, s22;
	[sflag:s24] =	ssyncset.done $0x0  }
0x19: {  	[sflag:s24] =	ssyncadd.s32 s5;
	_ =	sdelay $0x1  }
0x1a: {  	s25 =	simm.s32 $0x1B8B  }
0x1b: {  	_ =	swait.ge [sflag:s25], $0x1  }
0x1c: {  	[sflag:s25] =	ssyncset.done $0x0  }
0x1d: {  	s26 =	simm.s32 $0x1B8E;
	[sflag:s25] =	ssyncadd.s32 $0xFFFFFFFF  }
0x1e: {  	s27 =	simm.s32 $execute0_lowered;
	[smem:$0x3FD2] =	sst s26  }
0x1f: {  	s5 =	sshll.u32 s27, $0x1;
	_ =	strace $0x80000046;
	[dreg:$0x1] =	wrdreg $0xFFFFFFFF  }
0x20: {  	s28 =	simm.s32 $_size_execute0_lowered;
	s4 =	sadd.s32 s4, s5;
	[dreg:$0x0] =	wrdreg $0x0  }
0x21: {  	s5 =	sshll.u32 s28, $0x1;
	[dreg:$0x2] =	wrdreg s4  }
0x22: {  	[dreg:$0x3] =	wrdreg s5  }
0x23: {  	[dreg:$0x4] =	wrdreg $0xC0  }
0x24: {  	_ =	task [dreg:s8], $0x5FFFF  }
0x25: {  	[dreg:$0x1] =	wrdreg $0xFFFFFFFF  }
0x26: {  	[dreg:$0x0] =	wrdreg $0x60  }
0x27: {  	[dreg:$0x2] =	wrdreg s2  }
0x28: {  	[dreg:$0x3] =	wrdreg s20  }
0x29: {  	[dreg:$0x4] =	wrdreg $0x9  }
0x2a: {  	_ =	task.clear_ibuf [dreg:s8], $0x5FFFF;
	_ =	strace $0x90000046  }
0x2b: {  	s29 =	simm.s32 $0x9;
	_ =	strace $0x80000048  }
0x2c: {  	_ =	swait.ge [sflag:s29], $0x1  }
0x2d: {  	[sflag:s29] =	ssyncadd.s32 $0xFFFFFFFF  }
0x2e: {  	_ =	strace $0x90000048  }
0x2f: {  	_ =	sfence  }
0x30: {  	s30 =	sld [smem:$0x0];
	_ =	sdelay $0x2  }
0x31: {  	s31 =	sshll.u32 s1, $0xD;
	s1 =	sshrl.u32 s1, $0x2  }
0x32: {  	s3 =	sand.u32 $0x4000, s31;
	s1 =	sadd.s32 s1, s30  }
0x33: {  	s0 =	sor.u32 s3, s0;
	s1 =	sshll.u32 s1, $0x11  }
0x34: {  	s0 =	sor.u32 s1, s0  }
0x35: {  	s0 =	sadd.s32 $0x8F2B, s0  }
0x36: {  	[sflag:s0] =	ssyncadd.remote.s32 $0x1  }
0x37: {  	_ =	sfence.sel $0xFFFF  }
0x38: {  	[dreg:$0x0] =	wrdreg $0xFFFFFFFF;
	(pc) =	sbr.abs _section_cstart, $3  }
0x39: {  	[dreg:$0x1] =	wrdreg $0xFFFFFFFF  }
0x3a: {  	_ =	task.clear_ibuf [dreg:s8], $0x2FFFF;
	_ =	strace $0x9FFFFFFF  }
0x3b: {  	(tm) =	ssettm $0x7FFFFFFF  }
tec
execute0_lowered:
.L_overlay_start_1:
0x0: {  	(tag) =	ssettag $0x1  }
0x1: {  	s0 =	srdreg.scid  }
0x2: {  	s1 =	sshll.u32 s0, $0x4  }
0x3: {  	s2 =	rddreg [dreg:$0x0];
	s0 =	stileid.u32;
	s1 =	sand.u32 $0x10, s1  }
0x4: {  	s4 =	rddreg [dreg:$0x1];
	s1 =	sor.u32 s0, s1  }
0x5: {  	s7 =	simm.s32 $0x1;
	s8 =	simm.s32 $0x2;
	s3 =	sshll.u32 s1, $0x2  }
0x6: {  	s9 =	simm.s32 $0x0;
	s12 =	simm.s32 $0x0;
	s6 =	ssub.s32 $0x800, s3  }
.Ltmp0:
0x7: {  	s11 =	simm.s32 $0x0;
	s5 =	sand.u32 $0x7C, s6;
	(pc) =	sbr.rel .LBB1_1-.Ltmp0, $4  }
0x8: {  	s1 =	rddreg [dreg:$0x2];
	_ =	strace $0x80000047;
	p0 =	sne.s32 s5, $0x0  }
0x9: {  	s6 =	sshrl.u32 s6, $0x7;
	s5 =	simm.s32 $0x1;
	s7 =	simm.s32 @!p0 $0x0  }
0xa: {  	s10 =	smov.u32 s3;
	[sflag:s5] =	ssyncpa.u1 $0x0;
	s6 =	sadd.s32 s7, s6  }
0xb: {  	[sflag:s8] =	ssyncpa.u1 $0x0;
	s8 =	simm.s32 $0x0;
	s7 =	sadd.s32 $0x1, s6  }
.LBB1_9:
0xc: {  	s14 =	sadd.s32 $0x80, s10  }
0xd: {  	p1 =	sgt.s32 s14, $0x7FF  }
0xe: {  	s14 =	smov.u32 @p1 s3;
	p1 =	sne.s32 s11, s7  }
.Ltmp1:
0xf: {  	p0 =	slt.u32 s11, $0x2;
	(pc) =	sbr.rel @!p1 .LBB1_10-.Ltmp1, $4  }
0x10: {  	s13 =	simm.s32 @!p0 $0x2  }
0x11: {  	s15 =	sadd.s32 $0x1, s11;
	_ =	swait.ge @!p0 [sflag:s13], $0x4000  }
0x12: {  	s12 =	smov.u32 s10;
	s9 =	sadd.s32 $0x4000, s9;
	[sflag:s13] =	ssyncset.done @!p0 $0x0  }
0x13: {  	s11 =	smov.u32 s15;
	s10 =	smov.u32 s14;
	[sflag:s13] =	ssyncadd.s32 @!p0 $0xFFFFC000  }
.LBB1_1:
0x14: {  	p0 =	sge.u32 s11, s6  }
0x15: {  	s13 =	sxor.u32 @!p0 $0xFFFFFFFF, s11  }
0x16: {  	s31 =	sadd.s32 $0xFFFFFFFF, s11;
	s14 =	sshll.u32 @!p0 s10, $0x9;
	s13 =	sshll.u32 @!p0 s13, $0xE  }
0x17: {  	s15 =	simm.s32 @!p0 $0x0;
	s14 =	sadd.s32 @!p0 s2, s14;
	s13 =	sand.u32 @!p0 $0x4000, s13  }
0x18: {  	[tilespmem:s13], [sflag:$0x1] =	stream.linear.gather @!p0 [hbm4b:s14+s15], $0x4000, $0x38;
	[tilespmem:$0x10000] =	vst v63  }
0x19: {  	p0 =	sge.u32 s31, s6  }
.Ltmp2:
0x1a: {  	_ = 	snop;
	(pc) =	sbr.rel @p0 .LBB1_9-.Ltmp2, $1  }
0x1b: {  	_ =	sdelay $0x3  }
0x1c: {  	s14 =	sand.u32 $0x4000, s9  }
0x1d: {  	_ =	swait.ge [sflag:s5], $0x4000;
	s15 =	sshll.u32 s11, $0xE;
	s16 =	simm.s32 $0x0  }
0x1e: {  	s13 =	sor.u32 $0x40, s14;
	[sflag:s5] =	ssyncset.done $0x0;
	s15 =	sand.u32 $0x4000, s15  }
0x1f: {  	s14 =	sor.u32 $0x8040, s14;
	[sflag:s5] =	ssyncadd.s32 $0xFFFFC000;
	s15 =	sor.u32 $0x8000, s15  }
.LBB1_3:
0x20: {  	s17 =	smov.u32 s14;
	s18 =	smov.u32 s13;
	s19 =	simm.s32 $0x0  }
.LBB1_4:
0x21: {  	v0 =	vmov s17;
	v2 =	vld [tilespmem:s18+$0x30]  }
0x22: {  	v4 =	vld [tilespmem:s18+$0xFFFFFFD0]  }
0x23: {  	v6 =	vld [tilespmem:s18+$0xFFFFFFE0]  }
0x24: {  	v7 =	vld [tilespmem:s18+$0xFFFFFFF0]  }
0x25: {  	s20 =	simm.s32 $0x0;
	v1 =	vld [tilespmem:s18+$0x0]  }
0x26: {  	v3 =	vld [tilespmem:s18+$0x10];
	[tilespmem:v0+s20+$0x30 ss:$0x1] =	vst.idx.msk $0xffff, v2  }
0x27: {  	v5 =	vld [tilespmem:s18+$0x20];
	[tilespmem:v0+s20+$0xFFFFFFD0 ss:$0x1] =	vst.idx.msk $0xffff, v4  }
0x28: {  	s21 =	sadd.s32 $0x80, s18;
	v2 =	vld [tilespmem:s18+$0xFFFFFFC0];
	[tilespmem:v0+s20+$0xFFFFFFE0 ss:$0x1] =	vst.idx.msk $0xffff, v6  }
0x29: {  	s22 =	simm.s32 $0x800;
	s23 =	simm.s32 $0x1000;
	v4 =	vld [tilespmem:s21+$0x30];
	[tilespmem:v0+s20+$0xFFFFFFF0 ss:$0x1] =	vst.idx.msk $0xffff, v7  }
.LBB1_5:
0x2a: {  	p0 =	sne.s32 s23, $0x3800;
	v6 =	vld [tilespmem:s21+$0xFFFFFFD0];
	[tilespmem:v0+s20+$0x0 ss:$0x1] =	vst.idx.msk $0xffff, v1  }
0x2b: {  	v7 =	vld [tilespmem:s21+$0xFFFFFFE0];
	[tilespmem:v0+s20+$0x10 ss:$0x1] =	vst.idx.msk $0xffff, v3  }
0x2c: {  	v8 =	vld [tilespmem:s21+$0xFFFFFFF0];
	[tilespmem:v0+s20+$0x20 ss:$0x1] =	vst.idx.msk $0xffff, v5  }
.Ltmp3:
0x2d: {  	v1 =	vld [tilespmem:s21+$0x0];
	[tilespmem:v0+s20+$0xFFFFFFC0 ss:$0x1] =	vst.idx.msk $0xffff, v2;
	s20 =	sshra.s32 s22, $0x2;
	s22 =	smov.u32 s23;
	(pc) =	sbr.rel @p0 .LBB1_5-.Ltmp3, $4  }
0x2e: {  	v3 =	vld [tilespmem:s21+$0x10];
	[tilespmem:v0+s20+$0x30 ss:$0x1] =	vst.idx.msk $0xffff, v4  }
0x2f: {  	[tilespmem:v0+s20+$0xFFFFFFD0 ss:$0x1] =	vst.idx.msk $0xffff, v6;
	v5 =	vld [tilespmem:s21+$0x20]  }
0x30: {  	v2 =	vld [tilespmem:s21+$0xFFFFFFC0];
	[tilespmem:v0+s20+$0xFFFFFFE0 ss:$0x1] =	vst.idx.msk $0xffff, v7;
	s21 =	sadd.s32 $0x80, s21  }
0x31: {  	s23 =	sadd.s32 $0x800, s23;
	v4 =	vld [tilespmem:s21+$0x30];
	[tilespmem:v0+s20+$0xFFFFFFF0 ss:$0x1] =	vst.idx.msk $0xffff, v8  }
0x32: {  	_ =	sdelay $0x3  }
0x33: {  	v6 =	vld [tilespmem:s21+$0xFFFFFFD0];
	[tilespmem:v0+s20+$0x0 ss:$0x1] =	vst.idx.msk $0xffff, v1  }
0x34: {  	v58 =	vld [tilespmem:s21+$0xFFFFFFE0];
	[tilespmem:v0+s20+$0x10 ss:$0x1] =	vst.idx.msk $0xffff, v3  }
0x35: {  	v59 =	vld [tilespmem:s21+$0xFFFFFFF0];
	[tilespmem:v0+s20+$0x20 ss:$0x1] =	vst.idx.msk $0xffff, v5  }
0x36: {  	s22 =	sshra.s32 s22, $0x2;
	v60 =	vld [tilespmem:s21+$0x0];
	[tilespmem:v0+s20+$0xFFFFFFC0 ss:$0x1] =	vst.idx.msk $0xffff, v2  }
0x37: {  	v61 =	vld [tilespmem:s21+$0x10];
	[tilespmem:v0+s22+$0x30 ss:$0x1] =	vst.idx.msk $0xffff, v4  }
0x38: {  	v62 =	vld [tilespmem:s21+$0x20];
	s19 =	sadd.s32 $0x1, s19;
	[tilespmem:v0+s22+$0xFFFFFFD0 ss:$0x1] =	vst.idx.msk $0xffff, v6  }
0x39: {  	v63 =	vld [tilespmem:s21+$0xFFFFFFC0];
	p0 =	sne.s32 s19, $0x4;
	[tilespmem:v0+s22+$0xFFFFFFE0 ss:$0x1] =	vst.idx.msk $0xffff, v58  }
.Ltmp4:
0x3a: {  	[tilespmem:v0+s22+$0xFFFFFFF0 ss:$0x1] =	vst.idx.msk $0xffff, v59;
	(pc) =	sbr.rel @p0 .LBB1_4-.Ltmp4, $4  }
0x3b: {  	[tilespmem:v0+s22+$0x0 ss:$0x1] =	vst.idx.msk $0xffff, v60  }
0x3c: {  	[tilespmem:v0+s22+$0x10 ss:$0x1] =	vst.idx.msk $0xffff, v61  }
0x3d: {  	[tilespmem:v0+s22+$0x20 ss:$0x1] =	vst.idx.msk $0xffff, v62  }
0x3e: {  	s18 =	sadd.s32 $0x400, s18;
	s17 =	sadd.s32 $0x80, s17;
	[tilespmem:v0+s22+$0xFFFFFFC0 ss:$0x1] =	vst.idx.msk $0xffff, v63  }
0x3f: {  	s16 =	sadd.s32 $0x1, s16  }
0x40: {  	p0 =	sne.s32 s16, $0x4  }
.Ltmp5:
0x41: {  	_ = 	snop;
	(pc) =	sbr.rel @p0 .LBB1_3-.Ltmp5, $2  }
0x42: {  	_ =	sdelay $0x2  }
0x43: {  	s13 =	sadd.s32 $0x1000, s13;
	s14 =	sadd.s32 $0x1000, s14  }
.Ltmp6:
0x44: {  	(pc) =	sbr.rel .LBB1_9-.Ltmp6, $4  }
0x45: {  	_ = 	snop  }
0x46: {  	s12 =	sshll.u32 s12, $0x9  }
0x47: {  	s12 =	sadd.s32 s4, s12  }
0x48: {  	[hbm4b:s12+s8] =	stream.linear.scatter [tilespmem:s15], [sflag:$0x2], $0x4000, $0x38;
	[tilespmem:$0x10000] =	vst v63  }
.LBB1_10:
0x49: {  	_ =	sfence.sel $0x180000  }
0x4a: {  	s2 =	simm.s32 $0x1;
	[bflag:$0x0] =	sbarrier.arrive $0xFFFF  }
0x4b: {  	s31 =	simm.s32 $0x2;
	[sflag:s2] =	ssyncpa.u1 $0x1  }
0x4c: {  	[sflag:s31] =	ssyncpa.u1 $0x1  }
0x4d: {  	p0 =	sne.s32 s0, $0x0;
	_ =	strace $0x90000047  }
0x4e: {  	s0 =	sadd.s32 @!p0 $0x100000, s1;
	[bflag:$0x2] =	sbarrier.arrive $0xFFFF  }
0x4f: {  	[sflag:s0] =	ssyncadd.tile.s32 @!p0 $0x1;
	_ =	shalt  }
.Lfunc_end1:
_tile_overlayer_lowered:
.L_overlay_start_2:
0x50: {  	(tag) =	ssettag $0x2  }
0x51: {  	s0 =	rddreg [dreg:$0x0];
	s2 =	stileid.u32  }
0x52: {  	s1 =	rddreg [dreg:$0x1];
	p0 =	sne.s32 s2, $0x0  }
0x53: {  	s3 =	rddreg [dreg:$0x2];
	[bflag:$0x3] =	sbarrier.arrive $0xFFFF;
	s2 =	simm.s32 @!p0 $0x1C01  }
0x54: {  	[timem:s3], [sflag:s2] =	dma.local @!p0 [hbm:s0], s1  }
0x55: {  	s0 =	simm.s32 @!p0 $0x1  }
0x56: {  	_ =	swait.ge @!p0 [sflag:s0], s1  }
0x57: {  	s1 =	ssub.s32 @!p0 $0x0, s1;
	[sflag:s0] =	ssyncset.done @!p0 $0x0  }
0x58: {  	[sflag:s0] =	ssyncadd.s32 @!p0 s1  }
0x59: {  	[bflag:$0x3] =	sbarrier.arrive $0xFFFF  }
0x5a: {  	_ =	shalt  }

</sc_bundles>
